<compile_context>
chip_gen: v7x
topology: tpu7x:2x2x1
jax: 0.10.2.dev20260603
libtpu: 0.0.44.dev20260713+nightly
codegen_flags: <defaults>
</compile_context>

<pallas_src>
import functools

import jax
import jax.numpy as jnp
from jax import lax
from jax.experimental import pallas as pl
from jax.experimental.pallas import tpu as pltpu
from jax.experimental.pallas import tpu_sc as plsc

N = 10000
NP = 10240
E = 320000
D = 128

NC = 2
NS = 16
NW = NC * NS
K = 125
CH = E // (NW * K)
HC = CH // 2
RS = NP // NS

_MESH = plsc.VectorSubcoreMesh(
    core_axis_name="c", subcore_axis_name="s", num_cores=NC, num_subcores=NS
)



@functools.partial(
    pl.kernel,
    out_type=jax.ShapeDtypeStruct((NC, NP, D), jnp.float32),
    mesh=_MESH,
    scratch_types=[
        pltpu.VMEM((CH, K), jnp.int32),
        pltpu.VMEM((K, D), jnp.float32),
        pltpu.VMEM_SHARED((NP, D), jnp.float32),
        pltpu.SemaphoreType.DMA,
        pltpu.SemaphoreType.DMA,
    ],
)
def _sc_count(dst_hbm, ones_hbm, z128_hbm, out_hbm, dst_v, ones_v, acc_sh,
              sem, semp):
    c = lax.axis_index("c")
    s = lax.axis_index("s")
    wid = c * NS + s
    za = pltpu.async_copy(z128_hbm, acc_sh.at[pl.ds(s * RS, RS)], semp)
    pltpu.sync_copy(dst_hbm.at[wid], dst_v)
    pltpu.sync_copy(ones_hbm, ones_v)
    za.wait()
    plsc.subcore_barrier()

    def body(j, carry):
        pltpu.async_copy(ones_v, acc_sh.at[dst_v.at[j]], sem, add=True)

        @pl.when(j >= 2)
        def _():
            pltpu.make_async_copy(ones_v, acc_sh.at[dst_v.at[j - 2]], sem).wait()

        return carry

    lax.fori_loop(0, CH, body, 0)
    pltpu.make_async_copy(ones_v, acc_sh.at[dst_v.at[CH - 2]], sem).wait()
    pltpu.make_async_copy(ones_v, acc_sh.at[dst_v.at[CH - 1]], sem).wait()
    plsc.subcore_barrier()
    pltpu.sync_copy(acc_sh.at[pl.ds(s * RS, RS)], out_hbm.at[c, pl.ds(s * RS, RS)])


@functools.partial(
    pl.kernel,
    out_type=jax.ShapeDtypeStruct((NC, NP, D), jnp.float32),
    mesh=_MESH,
    scratch_types=[
        pltpu.VMEM((2 * HC, K), jnp.int32),
        pltpu.VMEM((2, K, D), jnp.float32),
        pltpu.VMEM_SHARED((NP, D), jnp.float32),
        pltpu.SemaphoreType.DMA,
        pltpu.SemaphoreType.DMA,
        pltpu.SemaphoreType.DMA,
    ],
)
def _sc_agg(h_hbm, src_hbm, dst_hbm, z128_hbm, out_hbm,
            idx_v, rows, acc_sh, sem0, sem1, semp):
    c = lax.axis_index("c")
    s = lax.axis_index("s")
    wid = c * NS + s
    za = pltpu.async_copy(z128_hbm, acc_sh.at[pl.ds(s * RS, RS)], semp)

    for half in range(2):
        base = half * HC
        pltpu.sync_copy(src_hbm.at[wid, pl.ds(base, HC)], idx_v.at[pl.ds(0, HC)])
        pltpu.sync_copy(dst_hbm.at[wid, pl.ds(base, HC)], idx_v.at[pl.ds(HC, HC)])
        pltpu.async_copy(h_hbm.at[idx_v.at[0]], rows.at[0], sem0)
        if half == 0:
            za.wait()
            plsc.subcore_barrier()

        def body(jj, carry):
            l0 = jj * 2
            pltpu.async_copy(h_hbm.at[idx_v.at[l0 + 1]], rows.at[1], sem1)
            pltpu.make_async_copy(h_hbm.at[idx_v.at[l0]], rows.at[0], sem0).wait()
            pltpu.sync_copy(rows.at[0], acc_sh.at[idx_v.at[HC + l0]], add=True)

            @pl.when(jj + 1 < HC // 2)
            def _():
                pltpu.async_copy(h_hbm.at[idx_v.at[l0 + 2]], rows.at[0], sem0)

            pltpu.make_async_copy(h_hbm.at[idx_v.at[l0 + 1]], rows.at[1], sem1).wait()
            pltpu.sync_copy(rows.at[1], acc_sh.at[idx_v.at[HC + l0 + 1]], add=True)
            return carry

        lax.fori_loop(0, HC // 2, body, 0)
    plsc.subcore_barrier()
    pltpu.sync_copy(acc_sh.at[pl.ds(s * RS, RS)], out_hbm.at[c, pl.ds(s * RS, RS)])



_B = 1024


def _mm1_body(cnt_ref, x_ref, w_ref, hp_ref, dinv_ref):
    p = cnt_ref[...]
    deg = 1.0 + p[0, :, 0:1] + p[1, :, 0:1]
    dv = lax.rsqrt(deg)
    h = jnp.dot(x_ref[...], w_ref[...], preferred_element_type=jnp.float32)
    hp_ref[...] = dv * h
    dinv_ref[...] = dv


def _mm2_body(p_ref, hp_ref, dinv_ref, b1_ref, w_ref, out_ref):
    p = p_ref[...]
    dv = dinv_ref[...]
    t = p[0] + p[1] + hp_ref[...]
    z = jnp.maximum(dv * t + b1_ref[...], 0.0)
    out_ref[...] = dv * jnp.dot(z, w_ref[...], preferred_element_type=jnp.float32)


def _mm3_body(p_ref, hp_ref, dinv_ref, b2_ref, w_ref, bm_ref, out_ref):
    p = p_ref[...]
    t = p[0] + p[1] + hp_ref[...]
    h2 = dinv_ref[...] * t + b2_ref[...]
    out_ref[...] = (
        jnp.dot(h2, w_ref[...], preferred_element_type=jnp.float32) + bm_ref[...]
    )


def _row_block(shape_last):
    return pl.BlockSpec((_B, shape_last), lambda i: (i, 0))


_P128_SPEC = pl.BlockSpec((NC, _B, D), lambda i: (0, i, 0))
_W_SPEC = pl.BlockSpec((D, D), lambda i: (0, 0))
_BIAS_SPEC = pl.BlockSpec((1, D), lambda i: (0, 0))
_GRID = (NP // _B,)

_mm1 = pl.pallas_call(
    _mm1_body,
    grid=_GRID,
    in_specs=[_P128_SPEC, _row_block(D), _W_SPEC],
    out_specs=[_row_block(D), _row_block(1)],
    out_shape=[
        jax.ShapeDtypeStruct((NP, D), jnp.float32),
        jax.ShapeDtypeStruct((NP, 1), jnp.float32),
    ],
)

_mm2 = pl.pallas_call(
    _mm2_body,
    grid=_GRID,
    in_specs=[_P128_SPEC, _row_block(D), _row_block(1), _BIAS_SPEC, _W_SPEC],
    out_specs=_row_block(D),
    out_shape=jax.ShapeDtypeStruct((NP, D), jnp.float32),
)

_mm3 = pl.pallas_call(
    _mm3_body,
    grid=_GRID,
    in_specs=[_P128_SPEC, _row_block(D), _row_block(1), _BIAS_SPEC, _W_SPEC,
              _BIAS_SPEC],
    out_specs=_row_block(D),
    out_shape=jax.ShapeDtypeStruct((NP, D), jnp.float32),
)


def kernel(x, edge_index, W1, b1, W2, b2, Wm, bm):
    ei = edge_index.astype(jnp.int32)
    src3 = ei[0].reshape(NW, CH, K)
    dst3 = ei[1].reshape(NW, CH, K)
    ones128 = jnp.ones((K, D), jnp.float32)
    z128 = jnp.zeros((RS, D), jnp.float32)

    xp = jnp.pad(x, ((0, NP - N), (0, 0)))
    cnt = _sc_count(dst3, ones128, z128)
    h1p, dinv = _mm1(cnt, xp, W1)
    p1 = _sc_agg(h1p, src3, dst3, z128)
    h2p = _mm2(p1, h1p, dinv, b1.reshape(1, D), W2)
    p2 = _sc_agg(h2p, src3, dst3, z128)
    out = _mm3(p2, h2p, dinv, b2.reshape(1, D), Wm, bm.reshape(1, D))
    return out[:N]

# --- scband reference (transcript-rebuilt; emitter-appended) ---
"""Pipeline reference for scband-mlpand-gcnserial-32298154065952 (READ-ONLY COPY).

The authoritative reference and input builder live on the scoring server;
editing this copy changes nothing except your own understanding.
"""

import jax, jax.numpy as jnp
import numpy as np

N = 10000
E = 320000
D = 128


def setup_inputs(seed: int = 0) -> dict:
    key = jax.random.key(seed)
    ks = jax.random.split(key, 8)
    x = jax.random.normal(ks[0], (N, D), dtype=jnp.float32)
    edge_index = jax.random.randint(ks[1], (2, E), 0, N, dtype=jnp.int64)
    s = 1.0 / np.sqrt(D)
    W1 = jax.random.normal(ks[2], (D, D), dtype=jnp.float32) * s
    b1 = jnp.zeros((D,), dtype=jnp.float32)
    W2 = jax.random.normal(ks[3], (D, D), dtype=jnp.float32) * s
    b2 = jnp.zeros((D,), dtype=jnp.float32)
    Wm = jax.random.normal(ks[4], (D, D), dtype=jnp.float32) * s
    bm = jnp.zeros((D,), dtype=jnp.float32)
    return {"x": x, "edge_index": edge_index, "W1": W1, "b1": b1, "W2": W2, "b2": b2, "Wm": Wm, "bm": bm}


def _gcn_conv(x, edge_index, W, b):
    # GCNConv: add self-loops, symmetric normalization, linear transform, scatter-add aggregate
    n = x.shape[0]
    loop = jnp.arange(n, dtype=edge_index.dtype)
    src = jnp.concatenate([edge_index[0], loop])
    dst = jnp.concatenate([edge_index[1], loop])
    deg = jnp.zeros((n,), dtype=x.dtype).at[dst].add(1.0)
    dinv = jnp.where(deg > 0, 1.0 / jnp.sqrt(deg), 0.0)
    norm = dinv[src] * dinv[dst]
    h = x @ W
    msg = h[src] * norm[:, None]
    out = jnp.zeros((n, h.shape[1]), dtype=x.dtype).at[dst].add(msg)
    return out + b


def reference(x, edge_index, W1, b1, W2, b2, Wm, bm):
    # GCN layer 1 + relu
    h = _gcn_conv(x, edge_index, W1, b1)
    h = jax.nn.relu(h)
    # GCN layer 2 (no relu after last conv... actually relu applied only between convs)
    h = _gcn_conv(h, edge_index, W2, b2)
    # MLP (single linear layer)
    out = h @ Wm + bm
    return out

if __name__ == "__main__":
    import jax
    _d = setup_inputs()
    print(jax.jit(kernel)(*tuple(_d.values())))

</pallas_src>

<mosaic_0001>
#map = affine_map<(d0, d1) -> (0, 0)>
#map1 = affine_map<(d0, d1) -> (0, 0, 0)>
module attributes {stable_mosaic.version = 14 : i64} {
  func.func @_sc_agg(%arg0: i32, %arg1: i32, %arg2: memref<10240x128xf32, #tpu.memory_space<hbm>>, %arg3: memref<32x80x125xi32, #tpu.memory_space<hbm>>, %arg4: memref<32x80x125xi32, #tpu.memory_space<hbm>>, %arg5: memref<640x128xf32, #tpu.memory_space<hbm>>, %arg6: memref<2x10240x128xf32, #tpu.memory_space<hbm>>, %arg7: memref<80x125xi32, #tpu.memory_space<vmem>>, %arg8: memref<2x125x128xf32, #tpu.memory_space<vmem>>, %arg9: memref<10240x128xf32, #tpu.memory_space<vmem_shared>>, %arg10: memref<!tpu.dma_semaphore, #tpu.memory_space<semaphore_mem>>, %arg11: memref<!tpu.dma_semaphore, #tpu.memory_space<semaphore_mem>>, %arg12: memref<!tpu.dma_semaphore, #tpu.memory_space<semaphore_mem>>) attributes {dimension_semantics = [#tpu.dimension_semantics<core_parallel>, #tpu.dimension_semantics<subcore_parallel>], iteration_bounds = array<i64: 2, 16>, scalar_prefetch = 0 : i64, scratch_operands = 6 : i64, tpu.core_type = #tpu.core_type<sc_vector_subcore>, window_params = [{transform_indices = #map}, {transform_indices = #map1}, {transform_indices = #map1}, {transform_indices = #map}, {transform_indices = #map1}]} {
    %mul3A = arith.constant 16 : i32
    %mul3A_0 = arith.muli %arg0, %mul3A : i32
    %add3A = arith.addi %mul3A_0, %arg1 : i32
    %mul3A_1 = arith.constant 640 : i32
    %mul3A_2 = arith.muli %arg1, %mul3A_1 : i32
    %dma_start3A = arith.constant 0 : i32
    %dma_start3A_3 = tpu.memref_slice %arg9[%mul3A_2, %dma_start3A] : memref<10240x128xf32, #tpu.memory_space<vmem_shared>> -> memref<640x128xf32, #tpu.memory_space<vmem_shared>>
    tpu.enqueue_dma source(%arg5 : memref<640x128xf32, #tpu.memory_space<hbm>>) target(%dma_start3A_3 : memref<640x128xf32, #tpu.memory_space<vmem_shared>>) target_semaphore(%arg12 : memref<!tpu.dma_semaphore, #tpu.memory_space<semaphore_mem>>)
    "tpu.region"() ({
      %run_scoped3A = tpu.sem_alloc : memref<!tpu.dma_semaphore, #tpu.memory_space<semaphore_mem>>
      %dma_start3A_45 = arith.constant 0 : i32
      %dma_start3A_46 = arith.constant 0 : i32
      %dma_start3A_47 = tpu.memref_slice %arg7[%dma_start3A_45, %dma_start3A_46] : memref<80x125xi32, #tpu.memory_space<vmem>> -> memref<40x125xi32, #tpu.memory_space<vmem>>
      %dma_start3A_48 = arith.constant 0 : i32
      %dma_start3A_49 = arith.constant 0 : i32
      %dma_start3A_50 = tpu.memref_slice %arg3[%add3A, %dma_start3A_48, %dma_start3A_49] : memref<32x80x125xi32, #tpu.memory_space<hbm>> -> memref<1x40x125xi32, #tpu.memory_space<hbm>>
      %dma_start3A_51 = tpu.memref_squeeze %dma_start3A_50 : memref<1x40x125xi32, #tpu.memory_space<hbm>> -> memref<40x125xi32, #tpu.memory_space<hbm>>
      %dma_start3A_52 = arith.constant 0 : i32
      %dma_start3A_53 = arith.constant 0 : i32
      %dma_start3A_54 = tpu.memref_slice %arg7[%dma_start3A_52, %dma_start3A_53] : memref<80x125xi32, #tpu.memory_space<vmem>> -> memref<40x125xi32, #tpu.memory_space<vmem>>
      %dma_start3A_55 = arith.constant 0 : i32
      %dma_start3A_56 = arith.constant 0 : i32
      %dma_start3A_57 = tpu.memref_slice %arg3[%add3A, %dma_start3A_55, %dma_start3A_56] : memref<32x80x125xi32, #tpu.memory_space<hbm>> -> memref<1x40x125xi32, #tpu.memory_space<hbm>>
      %dma_start3A_58 = tpu.memref_squeeze %dma_start3A_57 : memref<1x40x125xi32, #tpu.memory_space<hbm>> -> memref<40x125xi32, #tpu.memory_space<hbm>>
      tpu.enqueue_dma source(%dma_start3A_58 : memref<40x125xi32, #tpu.memory_space<hbm>>) target(%dma_start3A_54 : memref<40x125xi32, #tpu.memory_space<vmem>>) target_semaphore(%run_scoped3A : memref<!tpu.dma_semaphore, #tpu.memory_space<semaphore_mem>>)
      %dma_wait3A_59 = arith.constant 0 : i32
      %dma_wait3A_60 = arith.constant 0 : i32
      %dma_wait3A_61 = tpu.memref_slice %arg7[%dma_wait3A_59, %dma_wait3A_60] : memref<80x125xi32, #tpu.memory_space<vmem>> -> memref<40x125xi32, #tpu.memory_space<vmem>>
      %dma_wait3A_62 = arith.constant 0 : i32
      %dma_wait3A_63 = arith.constant 0 : i32
      %dma_wait3A_64 = tpu.memref_slice %arg3[%add3A, %dma_wait3A_62, %dma_wait3A_63] : memref<32x80x125xi32, #tpu.memory_space<hbm>> -> memref<1x40x125xi32, #tpu.memory_space<hbm>>
      %dma_wait3A_65 = tpu.memref_squeeze %dma_wait3A_64 : memref<1x40x125xi32, #tpu.memory_space<hbm>> -> memref<40x125xi32, #tpu.memory_space<hbm>>
      %dma_wait3A_66 = arith.constant 0 : i32
      %dma_wait3A_67 = arith.constant 0 : i32
      %dma_wait3A_68 = tpu.memref_slice %arg7[%dma_wait3A_66, %dma_wait3A_67] : memref<80x125xi32, #tpu.memory_space<vmem>> -> memref<40x125xi32, #tpu.memory_space<vmem>>
      %dma_wait3A_69 = arith.constant 0 : i32
      %dma_wait3A_70 = arith.constant 0 : i32
      %dma_wait3A_71 = tpu.memref_slice %arg3[%add3A, %dma_wait3A_69, %dma_wait3A_70] : memref<32x80x125xi32, #tpu.memory_space<hbm>> -> memref<1x40x125xi32, #tpu.memory_space<hbm>>
      %dma_wait3A_72 = tpu.memref_squeeze %dma_wait3A_71 : memref<1x40x125xi32, #tpu.memory_space<hbm>> -> memref<40x125xi32, #tpu.memory_space<hbm>>
      tpu.wait_dma2 semaphore(%run_scoped3A : memref<!tpu.dma_semaphore, #tpu.memory_space<semaphore_mem>>) src(%dma_wait3A_72 : memref<40x125xi32, #tpu.memory_space<hbm>>) dst(%dma_wait3A_68 : memref<40x125xi32, #tpu.memory_space<vmem>>)
      tpu.yield
    }) : () -> ()
    "tpu.region"() ({
      %run_scoped3A = tpu.sem_alloc : memref<!tpu.dma_semaphore, #tpu.memory_space<semaphore_mem>>
      %dma_start3A_45 = arith.constant 40 : i32
      %dma_start3A_46 = arith.constant 0 : i32
      %dma_start3A_47 = tpu.memref_slice %arg7[%dma_start3A_45, %dma_start3A_46] : memref<80x125xi32, #tpu.memory_space<vmem>> -> memref<40x125xi32, #tpu.memory_space<vmem>>
      %dma_start3A_48 = arith.constant 0 : i32
      %dma_start3A_49 = arith.constant 0 : i32
      %dma_start3A_50 = tpu.memref_slice %arg4[%add3A, %dma_start3A_48, %dma_start3A_49] : memref<32x80x125xi32, #tpu.memory_space<hbm>> -> memref<1x40x125xi32, #tpu.memory_space<hbm>>
      %dma_start3A_51 = tpu.memref_squeeze %dma_start3A_50 : memref<1x40x125xi32, #tpu.memory_space<hbm>> -> memref<40x125xi32, #tpu.memory_space<hbm>>
      %dma_start3A_52 = arith.constant 40 : i32
      %dma_start3A_53 = arith.constant 0 : i32
      %dma_start3A_54 = tpu.memref_slice %arg7[%dma_start3A_52, %dma_start3A_53] : memref<80x125xi32, #tpu.memory_space<vmem>> -> memref<40x125xi32, #tpu.memory_space<vmem>>
      %dma_start3A_55 = arith.constant 0 : i32
      %dma_start3A_56 = arith.constant 0 : i32
      %dma_start3A_57 = tpu.memref_slice %arg4[%add3A, %dma_start3A_55, %dma_start3A_56] : memref<32x80x125xi32, #tpu.memory_space<hbm>> -> memref<1x40x125xi32, #tpu.memory_space<hbm>>
      %dma_start3A_58 = tpu.memref_squeeze %dma_start3A_57 : memref<1x40x125xi32, #tpu.memory_space<hbm>> -> memref<40x125xi32, #tpu.memory_space<hbm>>
      tpu.enqueue_dma source(%dma_start3A_58 : memref<40x125xi32, #tpu.memory_space<hbm>>) target(%dma_start3A_54 : memref<40x125xi32, #tpu.memory_space<vmem>>) target_semaphore(%run_scoped3A : memref<!tpu.dma_semaphore, #tpu.memory_space<semaphore_mem>>)
      %dma_wait3A_59 = arith.constant 40 : i32
      %dma_wait3A_60 = arith.constant 0 : i32
      %dma_wait3A_61 = tpu.memref_slice %arg7[%dma_wait3A_59, %dma_wait3A_60] : memref<80x125xi32, #tpu.memory_space<vmem>> -> memref<40x125xi32, #tpu.memory_space<vmem>>
      %dma_wait3A_62 = arith.constant 0 : i32
      %dma_wait3A_63 = arith.constant 0 : i32
      %dma_wait3A_64 = tpu.memref_slice %arg4[%add3A, %dma_wait3A_62, %dma_wait3A_63] : memref<32x80x125xi32, #tpu.memory_space<hbm>> -> memref<1x40x125xi32, #tpu.memory_space<hbm>>
      %dma_wait3A_65 = tpu.memref_squeeze %dma_wait3A_64 : memref<1x40x125xi32, #tpu.memory_space<hbm>> -> memref<40x125xi32, #tpu.memory_space<hbm>>
      %dma_wait3A_66 = arith.constant 40 : i32
      %dma_wait3A_67 = arith.constant 0 : i32
      %dma_wait3A_68 = tpu.memref_slice %arg7[%dma_wait3A_66, %dma_wait3A_67] : memref<80x125xi32, #tpu.memory_space<vmem>> -> memref<40x125xi32, #tpu.memory_space<vmem>>
      %dma_wait3A_69 = arith.constant 0 : i32
      %dma_wait3A_70 = arith.constant 0 : i32
      %dma_wait3A_71 = tpu.memref_slice %arg4[%add3A, %dma_wait3A_69, %dma_wait3A_70] : memref<32x80x125xi32, #tpu.memory_space<hbm>> -> memref<1x40x125xi32, #tpu.memory_space<hbm>>
      %dma_wait3A_72 = tpu.memref_squeeze %dma_wait3A_71 : memref<1x40x125xi32, #tpu.memory_space<hbm>> -> memref<40x125xi32, #tpu.memory_space<hbm>>
      tpu.wait_dma2 semaphore(%run_scoped3A : memref<!tpu.dma_semaphore, #tpu.memory_space<semaphore_mem>>) src(%dma_wait3A_72 : memref<40x125xi32, #tpu.memory_space<hbm>>) dst(%dma_wait3A_68 : memref<40x125xi32, #tpu.memory_space<vmem>>)
      tpu.yield
    }) : () -> ()
    %dma_start3A_4 = arith.constant 0 : i32
    %dma_start3A_5 = arith.constant 0 : i32
    %dma_start3A_6 = arith.constant 0 : i32
    %dma_start3A_7 = arith.constant 0 : i32
    %dma_start3A_8 = tpu.memref_slice %arg8[%dma_start3A_5, %dma_start3A_6, %dma_start3A_7] : memref<2x125x128xf32, #tpu.memory_space<vmem>> -> memref<1x125x128xf32, #tpu.memory_space<vmem>>
    %dma_start3A_9 = tpu.memref_squeeze %dma_start3A_8 : memref<1x125x128xf32, #tpu.memory_space<vmem>> -> memref<125x128xf32, #tpu.memory_space<vmem>>
    %dma_start3A_10 = arith.constant 0 : i32
    %dma_start3A_11 = tpu.memref_slice %arg7[%dma_start3A_4, %dma_start3A_10] : memref<80x125xi32, #tpu.memory_space<vmem>> -> memref<1x125xi32, #tpu.memory_space<vmem>>
    %dma_start3A_12 = tpu.memref_squeeze %dma_start3A_11 : memref<1x125xi32, #tpu.memory_space<vmem>> -> memref<125xi32, #tpu.memory_space<vmem>>
    %dma_start3A_13 = arith.constant 0 : i32
    %dma_start3A_14 = arith.constant 0 : i32
    %dma_start3A_15 = tpu.memref_slice %arg2[%dma_start3A_13, %dma_start3A_14] : memref<10240x128xf32, #tpu.memory_space<hbm>> -> memref<10240x128xf32, #tpu.memory_space<hbm>>
    tpu.enqueue_indirect_dma source(%dma_start3A_15 : memref<10240x128xf32, #tpu.memory_space<hbm>>) target(%dma_start3A_9 : memref<125x128xf32, #tpu.memory_space<vmem>>) offsets(%dma_start3A_12 : memref<125xi32, #tpu.memory_space<vmem>>) semaphore(%arg10 : memref<!tpu.dma_semaphore, #tpu.memory_space<semaphore_mem>>)
    %dma_wait3A = arith.constant 0 : i32
    %dma_wait3A_16 = tpu.memref_slice %arg9[%mul3A_2, %dma_wait3A] : memref<10240x128xf32, #tpu.memory_space<vmem_shared>> -> memref<640x128xf32, #tpu.memory_space<vmem_shared>>
    tpu.wait_dma2 semaphore(%arg12 : memref<!tpu.dma_semaphore, #tpu.memory_space<semaphore_mem>>) src(%arg5 : memref<640x128xf32, #tpu.memory_space<hbm>>) dst(%dma_wait3A_16 : memref<640x128xf32, #tpu.memory_space<vmem_shared>>)
    %barrier3A = arith.constant 0 : index
    tpu.barrier barrier_id(%barrier3A)
    %scan3A = arith.constant 0 : i32
    %scan3A_17 = arith.constant 0 : i32
    %scan3A_18 = arith.constant 20 : i32
    %scan3A_19 = arith.addi %scan3A_17, %scan3A_18 : i32
    %scan3A_20 = arith.constant 1 : i32
    scf.for %scan3A_45 = %scan3A_17 to %scan3A_19 step %scan3A_20  : i32 {
      %mul3A_46 = arith.constant 2 : i32
      %mul3A_47 = arith.muli %scan3A_45, %mul3A_46 : i32
      %add3A_48 = arith.constant 1 : i32
      %add3A_49 = arith.addi %mul3A_47, %add3A_48 : i32
      %dma_start3A_50 = arith.constant 1 : i32
      %dma_start3A_51 = arith.constant 0 : i32
      %dma_start3A_52 = arith.constant 0 : i32
      %dma_start3A_53 = tpu.memref_slice %arg8[%dma_start3A_50, %dma_start3A_51, %dma_start3A_52] : memref<2x125x128xf32, #tpu.memory_space<vmem>> -> memref<1x125x128xf32, #tpu.memory_space<vmem>>
      %dma_start3A_54 = tpu.memref_squeeze %dma_start3A_53 : memref<1x125x128xf32, #tpu.memory_space<vmem>> -> memref<125x128xf32, #tpu.memory_space<vmem>>
      %dma_start3A_55 = arith.constant 0 : i32
      %dma_start3A_56 = tpu.memref_slice %arg7[%add3A_49, %dma_start3A_55] : memref<80x125xi32, #tpu.memory_space<vmem>> -> memref<1x125xi32, #tpu.memory_space<vmem>>
      %dma_start3A_57 = tpu.memref_squeeze %dma_start3A_56 : memref<1x125xi32, #tpu.memory_space<vmem>> -> memref<125xi32, #tpu.memory_space<vmem>>
      %dma_start3A_58 = arith.constant 0 : i32
      %dma_start3A_59 = arith.constant 0 : i32
      %dma_start3A_60 = tpu.memref_slice %arg2[%dma_start3A_58, %dma_start3A_59] : memref<10240x128xf32, #tpu.memory_space<hbm>> -> memref<10240x128xf32, #tpu.memory_space<hbm>>
      tpu.enqueue_indirect_dma source(%dma_start3A_60 : memref<10240x128xf32, #tpu.memory_space<hbm>>) target(%dma_start3A_54 : memref<125x128xf32, #tpu.memory_space<vmem>>) offsets(%dma_start3A_57 : memref<125xi32, #tpu.memory_space<vmem>>) semaphore(%arg11 : memref<!tpu.dma_semaphore, #tpu.memory_space<semaphore_mem>>)
      %dma_wait3A_61 = arith.constant 0 : i32
      %dma_wait3A_62 = arith.constant 0 : i32
      %dma_wait3A_63 = arith.constant 0 : i32
      %dma_wait3A_64 = tpu.memref_slice %arg8[%dma_wait3A_61, %dma_wait3A_62, %dma_wait3A_63] : memref<2x125x128xf32, #tpu.memory_space<vmem>> -> memref<1x125x128xf32, #tpu.memory_space<vmem>>
      %dma_wait3A_65 = tpu.memref_squeeze %dma_wait3A_64 : memref<1x125x128xf32, #tpu.memory_space<vmem>> -> memref<125x128xf32, #tpu.memory_space<vmem>>
      %dma_wait3A_66 = arith.constant 0 : i32
      %dma_wait3A_67 = tpu.memref_slice %arg7[%mul3A_47, %dma_wait3A_66] : memref<80x125xi32, #tpu.memory_space<vmem>> -> memref<1x125xi32, #tpu.memory_space<vmem>>
      %dma_wait3A_68 = tpu.memref_squeeze %dma_wait3A_67 : memref<1x125xi32, #tpu.memory_space<vmem>> -> memref<125xi32, #tpu.memory_space<vmem>>
      %dma_wait3A_69 = arith.constant 0 : i32
      %dma_wait3A_70 = arith.constant 0 : i32
      %dma_wait3A_71 = tpu.memref_slice %arg2[%dma_wait3A_69, %dma_wait3A_70] : memref<10240x128xf32, #tpu.memory_space<hbm>> -> memref<10240x128xf32, #tpu.memory_space<hbm>>
      tpu.wait_indirect_dma semaphore(%arg10 : memref<!tpu.dma_semaphore, #tpu.memory_space<semaphore_mem>>) src(%dma_wait3A_71 : memref<10240x128xf32, #tpu.memory_space<hbm>>) dst(%dma_wait3A_65 : memref<125x128xf32, #tpu.memory_space<vmem>>)
      %add3A_72 = arith.constant 40 : i32
      %add3A_73 = arith.addi %add3A_72, %mul3A_47 : i32
      %run_scoped3A = arith.constant 0 : i32
      "tpu.region"() ({
        %run_scoped3A_96 = tpu.sem_alloc : memref<!tpu.dma_semaphore, #tpu.memory_space<semaphore_mem>>
        %dma_start3A_97 = arith.constant 0 : i32
        %dma_start3A_98 = arith.constant 0 : i32
        %dma_start3A_99 = tpu.memref_slice %arg8[%run_scoped3A, %dma_start3A_97, %dma_start3A_98] : memref<2x125x128xf32, #tpu.memory_space<vmem>> -> memref<1x125x128xf32, #tpu.memory_space<vmem>>
        %dma_start3A_100 = tpu.memref_squeeze %dma_start3A_99 : memref<1x125x128xf32, #tpu.memory_space<vmem>> -> memref<125x128xf32, #tpu.memory_space<vmem>>
        %dma_start3A_101 = arith.constant 0 : i32
        %dma_start3A_102 = tpu.memref_slice %arg7[%add3A_73, %dma_start3A_101] : memref<80x125xi32, #tpu.memory_space<vmem>> -> memref<1x125xi32, #tpu.memory_space<vmem>>
        %dma_start3A_103 = tpu.memref_squeeze %dma_start3A_102 : memref<1x125xi32, #tpu.memory_space<vmem>> -> memref<125xi32, #tpu.memory_space<vmem>>
        %dma_start3A_104 = arith.constant 0 : i32
        %dma_start3A_105 = arith.constant 0 : i32
        %dma_start3A_106 = tpu.memref_slice %arg9[%dma_start3A_104, %dma_start3A_105] : memref<10240x128xf32, #tpu.memory_space<vmem_shared>> -> memref<10240x128xf32, #tpu.memory_space<vmem_shared>>
        tpu.enqueue_indirect_dma source(%dma_start3A_100 : memref<125x128xf32, #tpu.memory_space<vmem>>) target(%dma_start3A_106 : memref<10240x128xf32, #tpu.memory_space<vmem_shared>>) offsets(%dma_start3A_103 : memref<125xi32, #tpu.memory_space<vmem>>) semaphore(%run_scoped3A_96 : memref<!tpu.dma_semaphore, #tpu.memory_space<semaphore_mem>>) {add = true}
        %dma_wait3A_107 = arith.constant 0 : i32
        %dma_wait3A_108 = arith.constant 0 : i32
        %dma_wait3A_109 = tpu.memref_slice %arg8[%run_scoped3A, %dma_wait3A_107, %dma_wait3A_108] : memref<2x125x128xf32, #tpu.memory_space<vmem>> -> memref<1x125x128xf32, #tpu.memory_space<vmem>>
        %dma_wait3A_110 = tpu.memref_squeeze %dma_wait3A_109 : memref<1x125x128xf32, #tpu.memory_space<vmem>> -> memref<125x128xf32, #tpu.memory_space<vmem>>
        %dma_wait3A_111 = arith.constant 0 : i32
        %dma_wait3A_112 = tpu.memref_slice %arg7[%add3A_73, %dma_wait3A_111] : memref<80x125xi32, #tpu.memory_space<vmem>> -> memref<1x125xi32, #tpu.memory_space<vmem>>
        %dma_wait3A_113 = tpu.memref_squeeze %dma_wait3A_112 : memref<1x125xi32, #tpu.memory_space<vmem>> -> memref<125xi32, #tpu.memory_space<vmem>>
        %dma_wait3A_114 = arith.constant 0 : i32
        %dma_wait3A_115 = arith.constant 0 : i32
        %dma_wait3A_116 = tpu.memref_slice %arg9[%dma_wait3A_114, %dma_wait3A_115] : memref<10240x128xf32, #tpu.memory_space<vmem_shared>> -> memref<10240x128xf32, #tpu.memory_space<vmem_shared>>
        tpu.wait_indirect_dma semaphore(%run_scoped3A_96 : memref<!tpu.dma_semaphore, #tpu.memory_space<semaphore_mem>>) src(%dma_wait3A_110 : memref<125x128xf32, #tpu.memory_space<vmem>>) dst(%dma_wait3A_116 : memref<10240x128xf32, #tpu.memory_space<vmem_shared>>)
        tpu.yield
      }) : () -> ()
      %add3A_74 = arith.constant 1 : i32
      %add3A_75 = arith.addi %scan3A_45, %add3A_74 : i32
      %lt3A = arith.constant 20 : i32
      %lt3A_76 = arith.cmpi slt, %add3A_75, %lt3A : i32
      %convert_element_type3A = arith.extui %lt3A_76 : i1 to i32
      %cond3A = arith.constant 0 : i32
      %cond3A_77 = arith.cmpi ne, %convert_element_type3A, %cond3A : i32
      scf.if %cond3A_77 {
        %add3A_96 = arith.constant 2 : i32
        %add3A_97 = arith.addi %mul3A_47, %add3A_96 : i32
        %dma_start3A_98 = arith.constant 0 : i32
        %dma_start3A_99 = arith.constant 0 : i32
        %dma_start3A_100 = arith.constant 0 : i32
        %dma_start3A_101 = tpu.memref_slice %arg8[%dma_start3A_98, %dma_start3A_99, %dma_start3A_100] : memref<2x125x128xf32, #tpu.memory_space<vmem>> -> memref<1x125x128xf32, #tpu.memory_space<vmem>>
        %dma_start3A_102 = tpu.memref_squeeze %dma_start3A_101 : memref<1x125x128xf32, #tpu.memory_space<vmem>> -> memref<125x128xf32, #tpu.memory_space<vmem>>
        %dma_start3A_103 = arith.constant 0 : i32
        %dma_start3A_104 = tpu.memref_slice %arg7[%add3A_97, %dma_start3A_103] : memref<80x125xi32, #tpu.memory_space<vmem>> -> memref<1x125xi32, #tpu.memory_space<vmem>>
        %dma_start3A_105 = tpu.memref_squeeze %dma_start3A_104 : memref<1x125xi32, #tpu.memory_space<vmem>> -> memref<125xi32, #tpu.memory_space<vmem>>
        %dma_start3A_106 = arith.constant 0 : i32
        %dma_start3A_107 = arith.constant 0 : i32
        %dma_start3A_108 = tpu.memref_slice %arg2[%dma_start3A_106, %dma_start3A_107] : memref<10240x128xf32, #tpu.memory_space<hbm>> -> memref<10240x128xf32, #tpu.memory_space<hbm>>
        tpu.enqueue_indirect_dma source(%dma_start3A_108 : memref<10240x128xf32, #tpu.memory_space<hbm>>) target(%dma_start3A_102 : memref<125x128xf32, #tpu.memory_space<vmem>>) offsets(%dma_start3A_105 : memref<125xi32, #tpu.memory_space<vmem>>) semaphore(%arg10 : memref<!tpu.dma_semaphore, #tpu.memory_space<semaphore_mem>>)
      } else {
      }
      %add3A_78 = arith.constant 1 : i32
      %add3A_79 = arith.addi %mul3A_47, %add3A_78 : i32
      %dma_wait3A_80 = arith.constant 1 : i32
      %dma_wait3A_81 = arith.constant 0 : i32
      %dma_wait3A_82 = arith.constant 0 : i32
      %dma_wait3A_83 = tpu.memref_slice %arg8[%dma_wait3A_80, %dma_wait3A_81, %dma_wait3A_82] : memref<2x125x128xf32, #tpu.memory_space<vmem>> -> memref<1x125x128xf32, #tpu.memory_space<vmem>>
      %dma_wait3A_84 = tpu.memref_squeeze %dma_wait3A_83 : memref<1x125x128xf32, #tpu.memory_space<vmem>> -> memref<125x128xf32, #tpu.memory_space<vmem>>
      %dma_wait3A_85 = arith.constant 0 : i32
      %dma_wait3A_86 = tpu.memref_slice %arg7[%add3A_79, %dma_wait3A_85] : memref<80x125xi32, #tpu.memory_space<vmem>> -> memref<1x125xi32, #tpu.memory_space<vmem>>
      %dma_wait3A_87 = tpu.memref_squeeze %dma_wait3A_86 : memref<1x125xi32, #tpu.memory_space<vmem>> -> memref<125xi32, #tpu.memory_space<vmem>>
      %dma_wait3A_88 = arith.constant 0 : i32
      %dma_wait3A_89 = arith.constant 0 : i32
      %dma_wait3A_90 = tpu.memref_slice %arg2[%dma_wait3A_88, %dma_wait3A_89] : memref<10240x128xf32, #tpu.memory_space<hbm>> -> memref<10240x128xf32, #tpu.memory_space<hbm>>
      tpu.wait_indirect_dma semaphore(%arg11 : memref<!tpu.dma_semaphore, #tpu.memory_space<semaphore_mem>>) src(%dma_wait3A_90 : memref<10240x128xf32, #tpu.memory_space<hbm>>) dst(%dma_wait3A_84 : memref<125x128xf32, #tpu.memory_space<vmem>>)
      %add3A_91 = arith.constant 40 : i32
      %add3A_92 = arith.addi %add3A_91, %mul3A_47 : i32
      %add3A_93 = arith.constant 1 : i32
      %add3A_94 = arith.addi %add3A_92, %add3A_93 : i32
      %run_scoped3A_95 = arith.constant 1 : i32
      "tpu.region"() ({
        %run_scoped3A_96 = tpu.sem_alloc : memref<!tpu.dma_semaphore, #tpu.memory_space<semaphore_mem>>
        %dma_start3A_97 = arith.constant 0 : i32
        %dma_start3A_98 = arith.constant 0 : i32
        %dma_start3A_99 = tpu.memref_slice %arg8[%run_scoped3A_95, %dma_start3A_97, %dma_start3A_98] : memref<2x125x128xf32, #tpu.memory_space<vmem>> -> memref<1x125x128xf32, #tpu.memory_space<vmem>>
        %dma_start3A_100 = tpu.memref_squeeze %dma_start3A_99 : memref<1x125x128xf32, #tpu.memory_space<vmem>> -> memref<125x128xf32, #tpu.memory_space<vmem>>
        %dma_start3A_101 = arith.constant 0 : i32
        %dma_start3A_102 = tpu.memref_slice %arg7[%add3A_94, %dma_start3A_101] : memref<80x125xi32, #tpu.memory_space<vmem>> -> memref<1x125xi32, #tpu.memory_space<vmem>>
        %dma_start3A_103 = tpu.memref_squeeze %dma_start3A_102 : memref<1x125xi32, #tpu.memory_space<vmem>> -> memref<125xi32, #tpu.memory_space<vmem>>
        %dma_start3A_104 = arith.constant 0 : i32
        %dma_start3A_105 = arith.constant 0 : i32
        %dma_start3A_106 = tpu.memref_slice %arg9[%dma_start3A_104, %dma_start3A_105] : memref<10240x128xf32, #tpu.memory_space<vmem_shared>> -> memref<10240x128xf32, #tpu.memory_space<vmem_shared>>
        tpu.enqueue_indirect_dma source(%dma_start3A_100 : memref<125x128xf32, #tpu.memory_space<vmem>>) target(%dma_start3A_106 : memref<10240x128xf32, #tpu.memory_space<vmem_shared>>) offsets(%dma_start3A_103 : memref<125xi32, #tpu.memory_space<vmem>>) semaphore(%run_scoped3A_96 : memref<!tpu.dma_semaphore, #tpu.memory_space<semaphore_mem>>) {add = true}
        %dma_wait3A_107 = arith.constant 0 : i32
        %dma_wait3A_108 = arith.constant 0 : i32
        %dma_wait3A_109 = tpu.memref_slice %arg8[%run_scoped3A_95, %dma_wait3A_107, %dma_wait3A_108] : memref<2x125x128xf32, #tpu.memory_space<vmem>> -> memref<1x125x128xf32, #tpu.memory_space<vmem>>
        %dma_wait3A_110 = tpu.memref_squeeze %dma_wait3A_109 : memref<1x125x128xf32, #tpu.memory_space<vmem>> -> memref<125x128xf32, #tpu.memory_space<vmem>>
        %dma_wait3A_111 = arith.constant 0 : i32
        %dma_wait3A_112 = tpu.memref_slice %arg7[%add3A_94, %dma_wait3A_111] : memref<80x125xi32, #tpu.memory_space<vmem>> -> memref<1x125xi32, #tpu.memory_space<vmem>>
        %dma_wait3A_113 = tpu.memref_squeeze %dma_wait3A_112 : memref<1x125xi32, #tpu.memory_space<vmem>> -> memref<125xi32, #tpu.memory_space<vmem>>
        %dma_wait3A_114 = arith.constant 0 : i32
        %dma_wait3A_115 = arith.constant 0 : i32
        %dma_wait3A_116 = tpu.memref_slice %arg9[%dma_wait3A_114, %dma_wait3A_115] : memref<10240x128xf32, #tpu.memory_space<vmem_shared>> -> memref<10240x128xf32, #tpu.memory_space<vmem_shared>>
        tpu.wait_indirect_dma semaphore(%run_scoped3A_96 : memref<!tpu.dma_semaphore, #tpu.memory_space<semaphore_mem>>) src(%dma_wait3A_110 : memref<125x128xf32, #tpu.memory_space<vmem>>) dst(%dma_wait3A_116 : memref<10240x128xf32, #tpu.memory_space<vmem_shared>>)
        tpu.yield
      }) : () -> ()
    }
    %scan3A_21 = arith.constant 20 : i32
    "tpu.region"() ({
      %run_scoped3A = tpu.sem_alloc : memref<!tpu.dma_semaphore, #tpu.memory_space<semaphore_mem>>
      %dma_start3A_45 = arith.constant 0 : i32
      %dma_start3A_46 = arith.constant 0 : i32
      %dma_start3A_47 = tpu.memref_slice %arg7[%dma_start3A_45, %dma_start3A_46] : memref<80x125xi32, #tpu.memory_space<vmem>> -> memref<40x125xi32, #tpu.memory_space<vmem>>
      %dma_start3A_48 = arith.constant 40 : i32
      %dma_start3A_49 = arith.constant 0 : i32
      %dma_start3A_50 = tpu.memref_slice %arg3[%add3A, %dma_start3A_48, %dma_start3A_49] : memref<32x80x125xi32, #tpu.memory_space<hbm>> -> memref<1x40x125xi32, #tpu.memory_space<hbm>>
      %dma_start3A_51 = tpu.memref_squeeze %dma_start3A_50 : memref<1x40x125xi32, #tpu.memory_space<hbm>> -> memref<40x125xi32, #tpu.memory_space<hbm>>
      %dma_start3A_52 = arith.constant 0 : i32
      %dma_start3A_53 = arith.constant 0 : i32
      %dma_start3A_54 = tpu.memref_slice %arg7[%dma_start3A_52, %dma_start3A_53] : memref<80x125xi32, #tpu.memory_space<vmem>> -> memref<40x125xi32, #tpu.memory_space<vmem>>
      %dma_start3A_55 = arith.constant 40 : i32
      %dma_start3A_56 = arith.constant 0 : i32
      %dma_start3A_57 = tpu.memref_slice %arg3[%add3A, %dma_start3A_55, %dma_start3A_56] : memref<32x80x125xi32, #tpu.memory_space<hbm>> -> memref<1x40x125xi32, #tpu.memory_space<hbm>>
      %dma_start3A_58 = tpu.memref_squeeze %dma_start3A_57 : memref<1x40x125xi32, #tpu.memory_space<hbm>> -> memref<40x125xi32, #tpu.memory_space<hbm>>
      tpu.enqueue_dma source(%dma_start3A_58 : memref<40x125xi32, #tpu.memory_space<hbm>>) target(%dma_start3A_54 : memref<40x125xi32, #tpu.memory_space<vmem>>) target_semaphore(%run_scoped3A : memref<!tpu.dma_semaphore, #tpu.memory_space<semaphore_mem>>)
      %dma_wait3A_59 = arith.constant 0 : i32
      %dma_wait3A_60 = arith.constant 0 : i32
      %dma_wait3A_61 = tpu.memref_slice %arg7[%dma_wait3A_59, %dma_wait3A_60] : memref<80x125xi32, #tpu.memory_space<vmem>> -> memref<40x125xi32, #tpu.memory_space<vmem>>
      %dma_wait3A_62 = arith.constant 40 : i32
      %dma_wait3A_63 = arith.constant 0 : i32
      %dma_wait3A_64 = tpu.memref_slice %arg3[%add3A, %dma_wait3A_62, %dma_wait3A_63] : memref<32x80x125xi32, #tpu.memory_space<hbm>> -> memref<1x40x125xi32, #tpu.memory_space<hbm>>
      %dma_wait3A_65 = tpu.memref_squeeze %dma_wait3A_64 : memref<1x40x125xi32, #tpu.memory_space<hbm>> -> memref<40x125xi32, #tpu.memory_space<hbm>>
      %dma_wait3A_66 = arith.constant 0 : i32
      %dma_wait3A_67 = arith.constant 0 : i32
      %dma_wait3A_68 = tpu.memref_slice %arg7[%dma_wait3A_66, %dma_wait3A_67] : memref<80x125xi32, #tpu.memory_space<vmem>> -> memref<40x125xi32, #tpu.memory_space<vmem>>
      %dma_wait3A_69 = arith.constant 40 : i32
      %dma_wait3A_70 = arith.constant 0 : i32
      %dma_wait3A_71 = tpu.memref_slice %arg3[%add3A, %dma_wait3A_69, %dma_wait3A_70] : memref<32x80x125xi32, #tpu.memory_space<hbm>> -> memref<1x40x125xi32, #tpu.memory_space<hbm>>
      %dma_wait3A_72 = tpu.memref_squeeze %dma_wait3A_71 : memref<1x40x125xi32, #tpu.memory_space<hbm>> -> memref<40x125xi32, #tpu.memory_space<hbm>>
      tpu.wait_dma2 semaphore(%run_scoped3A : memref<!tpu.dma_semaphore, #tpu.memory_space<semaphore_mem>>) src(%dma_wait3A_72 : memref<40x125xi32, #tpu.memory_space<hbm>>) dst(%dma_wait3A_68 : memref<40x125xi32, #tpu.memory_space<vmem>>)
      tpu.yield
    }) : () -> ()
    "tpu.region"() ({
      %run_scoped3A = tpu.sem_alloc : memref<!tpu.dma_semaphore, #tpu.memory_space<semaphore_mem>>
      %dma_start3A_45 = arith.constant 40 : i32
      %dma_start3A_46 = arith.constant 0 : i32
      %dma_start3A_47 = tpu.memref_slice %arg7[%dma_start3A_45, %dma_start3A_46] : memref<80x125xi32, #tpu.memory_space<vmem>> -> memref<40x125xi32, #tpu.memory_space<vmem>>
      %dma_start3A_48 = arith.constant 40 : i32
      %dma_start3A_49 = arith.constant 0 : i32
      %dma_start3A_50 = tpu.memref_slice %arg4[%add3A, %dma_start3A_48, %dma_start3A_49] : memref<32x80x125xi32, #tpu.memory_space<hbm>> -> memref<1x40x125xi32, #tpu.memory_space<hbm>>
      %dma_start3A_51 = tpu.memref_squeeze %dma_start3A_50 : memref<1x40x125xi32, #tpu.memory_space<hbm>> -> memref<40x125xi32, #tpu.memory_space<hbm>>
      %dma_start3A_52 = arith.constant 40 : i32
      %dma_start3A_53 = arith.constant 0 : i32
      %dma_start3A_54 = tpu.memref_slice %arg7[%dma_start3A_52, %dma_start3A_53] : memref<80x125xi32, #tpu.memory_space<vmem>> -> memref<40x125xi32, #tpu.memory_space<vmem>>
      %dma_start3A_55 = arith.constant 40 : i32
      %dma_start3A_56 = arith.constant 0 : i32
      %dma_start3A_57 = tpu.memref_slice %arg4[%add3A, %dma_start3A_55, %dma_start3A_56] : memref<32x80x125xi32, #tpu.memory_space<hbm>> -> memref<1x40x125xi32, #tpu.memory_space<hbm>>
      %dma_start3A_58 = tpu.memref_squeeze %dma_start3A_57 : memref<1x40x125xi32, #tpu.memory_space<hbm>> -> memref<40x125xi32, #tpu.memory_space<hbm>>
      tpu.enqueue_dma source(%dma_start3A_58 : memref<40x125xi32, #tpu.memory_space<hbm>>) target(%dma_start3A_54 : memref<40x125xi32, #tpu.memory_space<vmem>>) target_semaphore(%run_scoped3A : memref<!tpu.dma_semaphore, #tpu.memory_space<semaphore_mem>>)
      %dma_wait3A_59 = arith.constant 40 : i32
      %dma_wait3A_60 = arith.constant 0 : i32
      %dma_wait3A_61 = tpu.memref_slice %arg7[%dma_wait3A_59, %dma_wait3A_60] : memref<80x125xi32, #tpu.memory_space<vmem>> -> memref<40x125xi32, #tpu.memory_space<vmem>>
      %dma_wait3A_62 = arith.constant 40 : i32
      %dma_wait3A_63 = arith.constant 0 : i32
      %dma_wait3A_64 = tpu.memref_slice %arg4[%add3A, %dma_wait3A_62, %dma_wait3A_63] : memref<32x80x125xi32, #tpu.memory_space<hbm>> -> memref<1x40x125xi32, #tpu.memory_space<hbm>>
      %dma_wait3A_65 = tpu.memref_squeeze %dma_wait3A_64 : memref<1x40x125xi32, #tpu.memory_space<hbm>> -> memref<40x125xi32, #tpu.memory_space<hbm>>
      %dma_wait3A_66 = arith.constant 40 : i32
      %dma_wait3A_67 = arith.constant 0 : i32
      %dma_wait3A_68 = tpu.memref_slice %arg7[%dma_wait3A_66, %dma_wait3A_67] : memref<80x125xi32, #tpu.memory_space<vmem>> -> memref<40x125xi32, #tpu.memory_space<vmem>>
      %dma_wait3A_69 = arith.constant 40 : i32
      %dma_wait3A_70 = arith.constant 0 : i32
      %dma_wait3A_71 = tpu.memref_slice %arg4[%add3A, %dma_wait3A_69, %dma_wait3A_70] : memref<32x80x125xi32, #tpu.memory_space<hbm>> -> memref<1x40x125xi32, #tpu.memory_space<hbm>>
      %dma_wait3A_72 = tpu.memref_squeeze %dma_wait3A_71 : memref<1x40x125xi32, #tpu.memory_space<hbm>> -> memref<40x125xi32, #tpu.memory_space<hbm>>
      tpu.wait_dma2 semaphore(%run_scoped3A : memref<!tpu.dma_semaphore, #tpu.memory_space<semaphore_mem>>) src(%dma_wait3A_72 : memref<40x125xi32, #tpu.memory_space<hbm>>) dst(%dma_wait3A_68 : memref<40x125xi32, #tpu.memory_space<vmem>>)
      tpu.yield
    }) : () -> ()
    %dma_start3A_22 = arith.constant 0 : i32
    %dma_start3A_23 = arith.constant 0 : i32
    %dma_start3A_24 = arith.constant 0 : i32
    %dma_start3A_25 = arith.constant 0 : i32
    %dma_start3A_26 = tpu.memref_slice %arg8[%dma_start3A_23, %dma_start3A_24, %dma_start3A_25] : memref<2x125x128xf32, #tpu.memory_space<vmem>> -> memref<1x125x128xf32, #tpu.memory_space<vmem>>
    %dma_start3A_27 = tpu.memref_squeeze %dma_start3A_26 : memref<1x125x128xf32, #tpu.memory_space<vmem>> -> memref<125x128xf32, #tpu.memory_space<vmem>>
    %dma_start3A_28 = arith.constant 0 : i32
    %dma_start3A_29 = tpu.memref_slice %arg7[%dma_start3A_22, %dma_start3A_28] : memref<80x125xi32, #tpu.memory_space<vmem>> -> memref<1x125xi32, #tpu.memory_space<vmem>>
    %dma_start3A_30 = tpu.memref_squeeze %dma_start3A_29 : memref<1x125xi32, #tpu.memory_space<vmem>> -> memref<125xi32, #tpu.memory_space<vmem>>
    %dma_start3A_31 = arith.constant 0 : i32
    %dma_start3A_32 = arith.constant 0 : i32
    %dma_start3A_33 = tpu.memref_slice %arg2[%dma_start3A_31, %dma_start3A_32] : memref<10240x128xf32, #tpu.memory_space<hbm>> -> memref<10240x128xf32, #tpu.memory_space<hbm>>
    tpu.enqueue_indirect_dma source(%dma_start3A_33 : memref<10240x128xf32, #tpu.memory_space<hbm>>) target(%dma_start3A_27 : memref<125x128xf32, #tpu.memory_space<vmem>>) offsets(%dma_start3A_30 : memref<125xi32, #tpu.memory_space<vmem>>) semaphore(%arg10 : memref<!tpu.dma_semaphore, #tpu.memory_space<semaphore_mem>>)
    %scan3A_34 = arith.constant 0 : i32
    %scan3A_35 = arith.constant 0 : i32
    %scan3A_36 = arith.constant 20 : i32
    %scan3A_37 = arith.addi %scan3A_35, %scan3A_36 : i32
    %scan3A_38 = arith.constant 1 : i32
    scf.for %scan3A_45 = %scan3A_35 to %scan3A_37 step %scan3A_38  : i32 {
      %mul3A_46 = arith.constant 2 : i32
      %mul3A_47 = arith.muli %scan3A_45, %mul3A_46 : i32
      %add3A_48 = arith.constant 1 : i32
      %add3A_49 = arith.addi %mul3A_47, %add3A_48 : i32
      %dma_start3A_50 = arith.constant 1 : i32
      %dma_start3A_51 = arith.constant 0 : i32
      %dma_start3A_52 = arith.constant 0 : i32
      %dma_start3A_53 = tpu.memref_slice %arg8[%dma_start3A_50, %dma_start3A_51, %dma_start3A_52] : memref<2x125x128xf32, #tpu.memory_space<vmem>> -> memref<1x125x128xf32, #tpu.memory_space<vmem>>
      %dma_start3A_54 = tpu.memref_squeeze %dma_start3A_53 : memref<1x125x128xf32, #tpu.memory_space<vmem>> -> memref<125x128xf32, #tpu.memory_space<vmem>>
      %dma_start3A_55 = arith.constant 0 : i32
      %dma_start3A_56 = tpu.memref_slice %arg7[%add3A_49, %dma_start3A_55] : memref<80x125xi32, #tpu.memory_space<vmem>> -> memref<1x125xi32, #tpu.memory_space<vmem>>
      %dma_start3A_57 = tpu.memref_squeeze %dma_start3A_56 : memref<1x125xi32, #tpu.memory_space<vmem>> -> memref<125xi32, #tpu.memory_space<vmem>>
      %dma_start3A_58 = arith.constant 0 : i32
      %dma_start3A_59 = arith.constant 0 : i32
      %dma_start3A_60 = tpu.memref_slice %arg2[%dma_start3A_58, %dma_start3A_59] : memref<10240x128xf32, #tpu.memory_space<hbm>> -> memref<10240x128xf32, #tpu.memory_space<hbm>>
      tpu.enqueue_indirect_dma source(%dma_start3A_60 : memref<10240x128xf32, #tpu.memory_space<hbm>>) target(%dma_start3A_54 : memref<125x128xf32, #tpu.memory_space<vmem>>) offsets(%dma_start3A_57 : memref<125xi32, #tpu.memory_space<vmem>>) semaphore(%arg11 : memref<!tpu.dma_semaphore, #tpu.memory_space<semaphore_mem>>)
      %dma_wait3A_61 = arith.constant 0 : i32
      %dma_wait3A_62 = arith.constant 0 : i32
      %dma_wait3A_63 = arith.constant 0 : i32
      %dma_wait3A_64 = tpu.memref_slice %arg8[%dma_wait3A_61, %dma_wait3A_62, %dma_wait3A_63] : memref<2x125x128xf32, #tpu.memory_space<vmem>> -> memref<1x125x128xf32, #tpu.memory_space<vmem>>
      %dma_wait3A_65 = tpu.memref_squeeze %dma_wait3A_64 : memref<1x125x128xf32, #tpu.memory_space<vmem>> -> memref<125x128xf32, #tpu.memory_space<vmem>>
      %dma_wait3A_66 = arith.constant 0 : i32
      %dma_wait3A_67 = tpu.memref_slice %arg7[%mul3A_47, %dma_wait3A_66] : memref<80x125xi32, #tpu.memory_space<vmem>> -> memref<1x125xi32, #tpu.memory_space<vmem>>
      %dma_wait3A_68 = tpu.memref_squeeze %dma_wait3A_67 : memref<1x125xi32, #tpu.memory_space<vmem>> -> memref<125xi32, #tpu.memory_space<vmem>>
      %dma_wait3A_69 = arith.constant 0 : i32
      %dma_wait3A_70 = arith.constant 0 : i32
      %dma_wait3A_71 = tpu.memref_slice %arg2[%dma_wait3A_69, %dma_wait3A_70] : memref<10240x128xf32, #tpu.memory_space<hbm>> -> memref<10240x128xf32, #tpu.memory_space<hbm>>
      tpu.wait_indirect_dma semaphore(%arg10 : memref<!tpu.dma_semaphore, #tpu.memory_space<semaphore_mem>>) src(%dma_wait3A_71 : memref<10240x128xf32, #tpu.memory_space<hbm>>) dst(%dma_wait3A_65 : memref<125x128xf32, #tpu.memory_space<vmem>>)
      %add3A_72 = arith.constant 40 : i32
      %add3A_73 = arith.addi %add3A_72, %mul3A_47 : i32
      %run_scoped3A = arith.constant 0 : i32
      "tpu.region"() ({
        %run_scoped3A_96 = tpu.sem_alloc : memref<!tpu.dma_semaphore, #tpu.memory_space<semaphore_mem>>
        %dma_start3A_97 = arith.constant 0 : i32
        %dma_start3A_98 = arith.constant 0 : i32
        %dma_start3A_99 = tpu.memref_slice %arg8[%run_scoped3A, %dma_start3A_97, %dma_start3A_98] : memref<2x125x128xf32, #tpu.memory_space<vmem>> -> memref<1x125x128xf32, #tpu.memory_space<vmem>>
        %dma_start3A_100 = tpu.memref_squeeze %dma_start3A_99 : memref<1x125x128xf32, #tpu.memory_space<vmem>> -> memref<125x128xf32, #tpu.memory_space<vmem>>
        %dma_start3A_101 = arith.constant 0 : i32
        %dma_start3A_102 = tpu.memref_slice %arg7[%add3A_73, %dma_start3A_101] : memref<80x125xi32, #tpu.memory_space<vmem>> -> memref<1x125xi32, #tpu.memory_space<vmem>>
        %dma_start3A_103 = tpu.memref_squeeze %dma_start3A_102 : memref<1x125xi32, #tpu.memory_space<vmem>> -> memref<125xi32, #tpu.memory_space<vmem>>
        %dma_start3A_104 = arith.constant 0 : i32
        %dma_start3A_105 = arith.constant 0 : i32
        %dma_start3A_106 = tpu.memref_slice %arg9[%dma_start3A_104, %dma_start3A_105] : memref<10240x128xf32, #tpu.memory_space<vmem_shared>> -> memref<10240x128xf32, #tpu.memory_space<vmem_shared>>
        tpu.enqueue_indirect_dma source(%dma_start3A_100 : memref<125x128xf32, #tpu.memory_space<vmem>>) target(%dma_start3A_106 : memref<10240x128xf32, #tpu.memory_space<vmem_shared>>) offsets(%dma_start3A_103 : memref<125xi32, #tpu.memory_space<vmem>>) semaphore(%run_scoped3A_96 : memref<!tpu.dma_semaphore, #tpu.memory_space<semaphore_mem>>) {add = true}
        %dma_wait3A_107 = arith.constant 0 : i32
        %dma_wait3A_108 = arith.constant 0 : i32
        %dma_wait3A_109 = tpu.memref_slice %arg8[%run_scoped3A, %dma_wait3A_107, %dma_wait3A_108] : memref<2x125x128xf32, #tpu.memory_space<vmem>> -> memref<1x125x128xf32, #tpu.memory_space<vmem>>
        %dma_wait3A_110 = tpu.memref_squeeze %dma_wait3A_109 : memref<1x125x128xf32, #tpu.memory_space<vmem>> -> memref<125x128xf32, #tpu.memory_space<vmem>>
        %dma_wait3A_111 = arith.constant 0 : i32
        %dma_wait3A_112 = tpu.memref_slice %arg7[%add3A_73, %dma_wait3A_111] : memref<80x125xi32, #tpu.memory_space<vmem>> -> memref<1x125xi32, #tpu.memory_space<vmem>>
        %dma_wait3A_113 = tpu.memref_squeeze %dma_wait3A_112 : memref<1x125xi32, #tpu.memory_space<vmem>> -> memref<125xi32, #tpu.memory_space<vmem>>
        %dma_wait3A_114 = arith.constant 0 : i32
        %dma_wait3A_115 = arith.constant 0 : i32
        %dma_wait3A_116 = tpu.memref_slice %arg9[%dma_wait3A_114, %dma_wait3A_115] : memref<10240x128xf32, #tpu.memory_space<vmem_shared>> -> memref<10240x128xf32, #tpu.memory_space<vmem_shared>>
        tpu.wait_indirect_dma semaphore(%run_scoped3A_96 : memref<!tpu.dma_semaphore, #tpu.memory_space<semaphore_mem>>) src(%dma_wait3A_110 : memref<125x128xf32, #tpu.memory_space<vmem>>) dst(%dma_wait3A_116 : memref<10240x128xf32, #tpu.memory_space<vmem_shared>>)
        tpu.yield
      }) : () -> ()
      %add3A_74 = arith.constant 1 : i32
      %add3A_75 = arith.addi %scan3A_45, %add3A_74 : i32
      %lt3A = arith.constant 20 : i32
      %lt3A_76 = arith.cmpi slt, %add3A_75, %lt3A : i32
      %convert_element_type3A = arith.extui %lt3A_76 : i1 to i32
      %cond3A = arith.constant 0 : i32
      %cond3A_77 = arith.cmpi ne, %convert_element_type3A, %cond3A : i32
      scf.if %cond3A_77 {
        %add3A_96 = arith.constant 2 : i32
        %add3A_97 = arith.addi %mul3A_47, %add3A_96 : i32
        %dma_start3A_98 = arith.constant 0 : i32
        %dma_start3A_99 = arith.constant 0 : i32
        %dma_start3A_100 = arith.constant 0 : i32
        %dma_start3A_101 = tpu.memref_slice %arg8[%dma_start3A_98, %dma_start3A_99, %dma_start3A_100] : memref<2x125x128xf32, #tpu.memory_space<vmem>> -> memref<1x125x128xf32, #tpu.memory_space<vmem>>
        %dma_start3A_102 = tpu.memref_squeeze %dma_start3A_101 : memref<1x125x128xf32, #tpu.memory_space<vmem>> -> memref<125x128xf32, #tpu.memory_space<vmem>>
        %dma_start3A_103 = arith.constant 0 : i32
        %dma_start3A_104 = tpu.memref_slice %arg7[%add3A_97, %dma_start3A_103] : memref<80x125xi32, #tpu.memory_space<vmem>> -> memref<1x125xi32, #tpu.memory_space<vmem>>
        %dma_start3A_105 = tpu.memref_squeeze %dma_start3A_104 : memref<1x125xi32, #tpu.memory_space<vmem>> -> memref<125xi32, #tpu.memory_space<vmem>>
        %dma_start3A_106 = arith.constant 0 : i32
        %dma_start3A_107 = arith.constant 0 : i32
        %dma_start3A_108 = tpu.memref_slice %arg2[%dma_start3A_106, %dma_start3A_107] : memref<10240x128xf32, #tpu.memory_space<hbm>> -> memref<10240x128xf32, #tpu.memory_space<hbm>>
        tpu.enqueue_indirect_dma source(%dma_start3A_108 : memref<10240x128xf32, #tpu.memory_space<hbm>>) target(%dma_start3A_102 : memref<125x128xf32, #tpu.memory_space<vmem>>) offsets(%dma_start3A_105 : memref<125xi32, #tpu.memory_space<vmem>>) semaphore(%arg10 : memref<!tpu.dma_semaphore, #tpu.memory_space<semaphore_mem>>)
      } else {
      }
      %add3A_78 = arith.constant 1 : i32
      %add3A_79 = arith.addi %mul3A_47, %add3A_78 : i32
      %dma_wait3A_80 = arith.constant 1 : i32
      %dma_wait3A_81 = arith.constant 0 : i32
      %dma_wait3A_82 = arith.constant 0 : i32
      %dma_wait3A_83 = tpu.memref_slice %arg8[%dma_wait3A_80, %dma_wait3A_81, %dma_wait3A_82] : memref<2x125x128xf32, #tpu.memory_space<vmem>> -> memref<1x125x128xf32, #tpu.memory_space<vmem>>
      %dma_wait3A_84 = tpu.memref_squeeze %dma_wait3A_83 : memref<1x125x128xf32, #tpu.memory_space<vmem>> -> memref<125x128xf32, #tpu.memory_space<vmem>>
      %dma_wait3A_85 = arith.constant 0 : i32
      %dma_wait3A_86 = tpu.memref_slice %arg7[%add3A_79, %dma_wait3A_85] : memref<80x125xi32, #tpu.memory_space<vmem>> -> memref<1x125xi32, #tpu.memory_space<vmem>>
      %dma_wait3A_87 = tpu.memref_squeeze %dma_wait3A_86 : memref<1x125xi32, #tpu.memory_space<vmem>> -> memref<125xi32, #tpu.memory_space<vmem>>
      %dma_wait3A_88 = arith.constant 0 : i32
      %dma_wait3A_89 = arith.constant 0 : i32
      %dma_wait3A_90 = tpu.memref_slice %arg2[%dma_wait3A_88, %dma_wait3A_89] : memref<10240x128xf32, #tpu.memory_space<hbm>> -> memref<10240x128xf32, #tpu.memory_space<hbm>>
      tpu.wait_indirect_dma semaphore(%arg11 : memref<!tpu.dma_semaphore, #tpu.memory_space<semaphore_mem>>) src(%dma_wait3A_90 : memref<10240x128xf32, #tpu.memory_space<hbm>>) dst(%dma_wait3A_84 : memref<125x128xf32, #tpu.memory_space<vmem>>)
      %add3A_91 = arith.constant 40 : i32
      %add3A_92 = arith.addi %add3A_91, %mul3A_47 : i32
      %add3A_93 = arith.constant 1 : i32
      %add3A_94 = arith.addi %add3A_92, %add3A_93 : i32
      %run_scoped3A_95 = arith.constant 1 : i32
      "tpu.region"() ({
        %run_scoped3A_96 = tpu.sem_alloc : memref<!tpu.dma_semaphore, #tpu.memory_space<semaphore_mem>>
        %dma_start3A_97 = arith.constant 0 : i32
        %dma_start3A_98 = arith.constant 0 : i32
        %dma_start3A_99 = tpu.memref_slice %arg8[%run_scoped3A_95, %dma_start3A_97, %dma_start3A_98] : memref<2x125x128xf32, #tpu.memory_space<vmem>> -> memref<1x125x128xf32, #tpu.memory_space<vmem>>
        %dma_start3A_100 = tpu.memref_squeeze %dma_start3A_99 : memref<1x125x128xf32, #tpu.memory_space<vmem>> -> memref<125x128xf32, #tpu.memory_space<vmem>>
        %dma_start3A_101 = arith.constant 0 : i32
        %dma_start3A_102 = tpu.memref_slice %arg7[%add3A_94, %dma_start3A_101] : memref<80x125xi32, #tpu.memory_space<vmem>> -> memref<1x125xi32, #tpu.memory_space<vmem>>
        %dma_start3A_103 = tpu.memref_squeeze %dma_start3A_102 : memref<1x125xi32, #tpu.memory_space<vmem>> -> memref<125xi32, #tpu.memory_space<vmem>>
        %dma_start3A_104 = arith.constant 0 : i32
        %dma_start3A_105 = arith.constant 0 : i32
        %dma_start3A_106 = tpu.memref_slice %arg9[%dma_start3A_104, %dma_start3A_105] : memref<10240x128xf32, #tpu.memory_space<vmem_shared>> -> memref<10240x128xf32, #tpu.memory_space<vmem_shared>>
        tpu.enqueue_indirect_dma source(%dma_start3A_100 : memref<125x128xf32, #tpu.memory_space<vmem>>) target(%dma_start3A_106 : memref<10240x128xf32, #tpu.memory_space<vmem_shared>>) offsets(%dma_start3A_103 : memref<125xi32, #tpu.memory_space<vmem>>) semaphore(%run_scoped3A_96 : memref<!tpu.dma_semaphore, #tpu.memory_space<semaphore_mem>>) {add = true}
        %dma_wait3A_107 = arith.constant 0 : i32
        %dma_wait3A_108 = arith.constant 0 : i32
        %dma_wait3A_109 = tpu.memref_slice %arg8[%run_scoped3A_95, %dma_wait3A_107, %dma_wait3A_108] : memref<2x125x128xf32, #tpu.memory_space<vmem>> -> memref<1x125x128xf32, #tpu.memory_space<vmem>>
        %dma_wait3A_110 = tpu.memref_squeeze %dma_wait3A_109 : memref<1x125x128xf32, #tpu.memory_space<vmem>> -> memref<125x128xf32, #tpu.memory_space<vmem>>
        %dma_wait3A_111 = arith.constant 0 : i32
        %dma_wait3A_112 = tpu.memref_slice %arg7[%add3A_94, %dma_wait3A_111] : memref<80x125xi32, #tpu.memory_space<vmem>> -> memref<1x125xi32, #tpu.memory_space<vmem>>
        %dma_wait3A_113 = tpu.memref_squeeze %dma_wait3A_112 : memref<1x125xi32, #tpu.memory_space<vmem>> -> memref<125xi32, #tpu.memory_space<vmem>>
        %dma_wait3A_114 = arith.constant 0 : i32
        %dma_wait3A_115 = arith.constant 0 : i32
        %dma_wait3A_116 = tpu.memref_slice %arg9[%dma_wait3A_114, %dma_wait3A_115] : memref<10240x128xf32, #tpu.memory_space<vmem_shared>> -> memref<10240x128xf32, #tpu.memory_space<vmem_shared>>
        tpu.wait_indirect_dma semaphore(%run_scoped3A_96 : memref<!tpu.dma_semaphore, #tpu.memory_space<semaphore_mem>>) src(%dma_wait3A_110 : memref<125x128xf32, #tpu.memory_space<vmem>>) dst(%dma_wait3A_116 : memref<10240x128xf32, #tpu.memory_space<vmem_shared>>)
        tpu.yield
      }) : () -> ()
    }
    %scan3A_39 = arith.constant 20 : i32
    %barrier3A_40 = arith.constant 0 : index
    tpu.barrier barrier_id(%barrier3A_40)
    %mul3A_41 = arith.constant 640 : i32
    %mul3A_42 = arith.muli %arg1, %mul3A_41 : i32
    %mul3A_43 = arith.constant 640 : i32
    %mul3A_44 = arith.muli %arg1, %mul3A_43 : i32
    "tpu.region"() ({
      %run_scoped3A = tpu.sem_alloc : memref<!tpu.dma_semaphore, #tpu.memory_space<semaphore_mem>>
      %dma_start3A_45 = arith.constant 0 : i32
      %dma_start3A_46 = tpu.memref_slice %arg6[%arg0, %mul3A_44, %dma_start3A_45] : memref<2x10240x128xf32, #tpu.memory_space<hbm>> -> memref<1x640x128xf32, #tpu.memory_space<hbm>>
      %dma_start3A_47 = tpu.memref_squeeze %dma_start3A_46 : memref<1x640x128xf32, #tpu.memory_space<hbm>> -> memref<640x128xf32, #tpu.memory_space<hbm>>
      %dma_start3A_48 = arith.constant 0 : i32
      %dma_start3A_49 = tpu.memref_slice %arg9[%mul3A_42, %dma_start3A_48] : memref<10240x128xf32, #tpu.memory_space<vmem_shared>> -> memref<640x128xf32, #tpu.memory_space<vmem_shared>>
      tpu.enqueue_dma source(%dma_start3A_49 : memref<640x128xf32, #tpu.memory_space<vmem_shared>>) target(%dma_start3A_47 : memref<640x128xf32, #tpu.memory_space<hbm>>) target_semaphore(%run_scoped3A : memref<!tpu.dma_semaphore, #tpu.memory_space<semaphore_mem>>)
      %dma_wait3A_50 = arith.constant 0 : i32
      %dma_wait3A_51 = tpu.memref_slice %arg6[%arg0, %mul3A_44, %dma_wait3A_50] : memref<2x10240x128xf32, #tpu.memory_space<hbm>> -> memref<1x640x128xf32, #tpu.memory_space<hbm>>
      %dma_wait3A_52 = tpu.memref_squeeze %dma_wait3A_51 : memref<1x640x128xf32, #tpu.memory_space<hbm>> -> memref<640x128xf32, #tpu.memory_space<hbm>>
      %dma_wait3A_53 = arith.constant 0 : i32
      %dma_wait3A_54 = tpu.memref_slice %arg9[%mul3A_42, %dma_wait3A_53] : memref<10240x128xf32, #tpu.memory_space<vmem_shared>> -> memref<640x128xf32, #tpu.memory_space<vmem_shared>>
      tpu.wait_dma2 semaphore(%run_scoped3A : memref<!tpu.dma_semaphore, #tpu.memory_space<semaphore_mem>>) src(%dma_wait3A_54 : memref<640x128xf32, #tpu.memory_space<vmem_shared>>) dst(%dma_wait3A_52 : memref<640x128xf32, #tpu.memory_space<hbm>>)
      tpu.yield
    }) : () -> ()
    return
  }
}

#map = affine_map<(d0, d1) -> (0, 0, 0)>
#map1 = affine_map<(d0, d1) -> (0, 0)>
module attributes {stable_mosaic.version = 14 : i64} {
  func.func @_sc_count(%arg0: i32, %arg1: i32, %arg2: memref<32x80x125xi32, #tpu.memory_space<hbm>>, %arg3: memref<125x128xf32, #tpu.memory_space<hbm>>, %arg4: memref<640x128xf32, #tpu.memory_space<hbm>>, %arg5: memref<2x10240x128xf32, #tpu.memory_space<hbm>>, %arg6: memref<80x125xi32, #tpu.memory_space<vmem>>, %arg7: memref<125x128xf32, #tpu.memory_space<vmem>>, %arg8: memref<10240x128xf32, #tpu.memory_space<vmem_shared>>, %arg9: memref<!tpu.dma_semaphore, #tpu.memory_space<semaphore_mem>>, %arg10: memref<!tpu.dma_semaphore, #tpu.memory_space<semaphore_mem>>) attributes {dimension_semantics = [#tpu.dimension_semantics<core_parallel>, #tpu.dimension_semantics<subcore_parallel>], iteration_bounds = array<i64: 2, 16>, scalar_prefetch = 0 : i64, scratch_operands = 5 : i64, tpu.core_type = #tpu.core_type<sc_vector_subcore>, window_params = [{transform_indices = #map}, {transform_indices = #map1}, {transform_indices = #map1}, {transform_indices = #map}]} {
    %mul3A = arith.constant 16 : i32
    %mul3A_0 = arith.muli %arg0, %mul3A : i32
    %add3A = arith.addi %mul3A_0, %arg1 : i32
    %mul3A_1 = arith.constant 640 : i32
    %mul3A_2 = arith.muli %arg1, %mul3A_1 : i32
    %dma_start3A = arith.constant 0 : i32
    %dma_start3A_3 = tpu.memref_slice %arg8[%mul3A_2, %dma_start3A] : memref<10240x128xf32, #tpu.memory_space<vmem_shared>> -> memref<640x128xf32, #tpu.memory_space<vmem_shared>>
    tpu.enqueue_dma source(%arg4 : memref<640x128xf32, #tpu.memory_space<hbm>>) target(%dma_start3A_3 : memref<640x128xf32, #tpu.memory_space<vmem_shared>>) target_semaphore(%arg10 : memref<!tpu.dma_semaphore, #tpu.memory_space<semaphore_mem>>)
    "tpu.region"() ({
      %run_scoped3A = tpu.sem_alloc : memref<!tpu.dma_semaphore, #tpu.memory_space<semaphore_mem>>
      %dma_start3A_29 = arith.constant 0 : i32
      %dma_start3A_30 = arith.constant 0 : i32
      %dma_start3A_31 = tpu.memref_slice %arg2[%add3A, %dma_start3A_29, %dma_start3A_30] : memref<32x80x125xi32, #tpu.memory_space<hbm>> -> memref<1x80x125xi32, #tpu.memory_space<hbm>>
      %dma_start3A_32 = tpu.memref_squeeze %dma_start3A_31 : memref<1x80x125xi32, #tpu.memory_space<hbm>> -> memref<80x125xi32, #tpu.memory_space<hbm>>
      %dma_start3A_33 = arith.constant 0 : i32
      %dma_start3A_34 = arith.constant 0 : i32
      %dma_start3A_35 = tpu.memref_slice %arg2[%add3A, %dma_start3A_33, %dma_start3A_34] : memref<32x80x125xi32, #tpu.memory_space<hbm>> -> memref<1x80x125xi32, #tpu.memory_space<hbm>>
      %dma_start3A_36 = tpu.memref_squeeze %dma_start3A_35 : memref<1x80x125xi32, #tpu.memory_space<hbm>> -> memref<80x125xi32, #tpu.memory_space<hbm>>
      tpu.enqueue_dma source(%dma_start3A_36 : memref<80x125xi32, #tpu.memory_space<hbm>>) target(%arg6 : memref<80x125xi32, #tpu.memory_space<vmem>>) target_semaphore(%run_scoped3A : memref<!tpu.dma_semaphore, #tpu.memory_space<semaphore_mem>>)
      %dma_wait3A_37 = arith.constant 0 : i32
      %dma_wait3A_38 = arith.constant 0 : i32
      %dma_wait3A_39 = tpu.memref_slice %arg2[%add3A, %dma_wait3A_37, %dma_wait3A_38] : memref<32x80x125xi32, #tpu.memory_space<hbm>> -> memref<1x80x125xi32, #tpu.memory_space<hbm>>
      %dma_wait3A_40 = tpu.memref_squeeze %dma_wait3A_39 : memref<1x80x125xi32, #tpu.memory_space<hbm>> -> memref<80x125xi32, #tpu.memory_space<hbm>>
      %dma_wait3A_41 = arith.constant 0 : i32
      %dma_wait3A_42 = arith.constant 0 : i32
      %dma_wait3A_43 = tpu.memref_slice %arg2[%add3A, %dma_wait3A_41, %dma_wait3A_42] : memref<32x80x125xi32, #tpu.memory_space<hbm>> -> memref<1x80x125xi32, #tpu.memory_space<hbm>>
      %dma_wait3A_44 = tpu.memref_squeeze %dma_wait3A_43 : memref<1x80x125xi32, #tpu.memory_space<hbm>> -> memref<80x125xi32, #tpu.memory_space<hbm>>
      tpu.wait_dma2 semaphore(%run_scoped3A : memref<!tpu.dma_semaphore, #tpu.memory_space<semaphore_mem>>) src(%dma_wait3A_44 : memref<80x125xi32, #tpu.memory_space<hbm>>) dst(%arg6 : memref<80x125xi32, #tpu.memory_space<vmem>>)
      tpu.yield
    }) : () -> ()
    "tpu.region"() ({
      %run_scoped3A = tpu.sem_alloc : memref<!tpu.dma_semaphore, #tpu.memory_space<semaphore_mem>>
      tpu.enqueue_dma source(%arg3 : memref<125x128xf32, #tpu.memory_space<hbm>>) target(%arg7 : memref<125x128xf32, #tpu.memory_space<vmem>>) target_semaphore(%run_scoped3A : memref<!tpu.dma_semaphore, #tpu.memory_space<semaphore_mem>>)
      tpu.wait_dma2 semaphore(%run_scoped3A : memref<!tpu.dma_semaphore, #tpu.memory_space<semaphore_mem>>) src(%arg3 : memref<125x128xf32, #tpu.memory_space<hbm>>) dst(%arg7 : memref<125x128xf32, #tpu.memory_space<vmem>>)
      tpu.yield
    }) : () -> ()
    %dma_wait3A = arith.constant 0 : i32
    %dma_wait3A_4 = tpu.memref_slice %arg8[%mul3A_2, %dma_wait3A] : memref<10240x128xf32, #tpu.memory_space<vmem_shared>> -> memref<640x128xf32, #tpu.memory_space<vmem_shared>>
    tpu.wait_dma2 semaphore(%arg10 : memref<!tpu.dma_semaphore, #tpu.memory_space<semaphore_mem>>) src(%arg4 : memref<640x128xf32, #tpu.memory_space<hbm>>) dst(%dma_wait3A_4 : memref<640x128xf32, #tpu.memory_space<vmem_shared>>)
    %barrier3A = arith.constant 0 : index
    tpu.barrier barrier_id(%barrier3A)
    %scan3A = arith.constant 0 : i32
    %scan3A_5 = arith.constant 0 : i32
    %scan3A_6 = arith.constant 80 : i32
    %scan3A_7 = arith.addi %scan3A_5, %scan3A_6 : i32
    %scan3A_8 = arith.constant 1 : i32
    scf.for %scan3A_29 = %scan3A_5 to %scan3A_7 step %scan3A_8  : i32 {
      %dma_start3A_30 = arith.constant 0 : i32
      %dma_start3A_31 = tpu.memref_slice %arg6[%scan3A_29, %dma_start3A_30] : memref<80x125xi32, #tpu.memory_space<vmem>> -> memref<1x125xi32, #tpu.memory_space<vmem>>
      %dma_start3A_32 = tpu.memref_squeeze %dma_start3A_31 : memref<1x125xi32, #tpu.memory_space<vmem>> -> memref<125xi32, #tpu.memory_space<vmem>>
      %dma_start3A_33 = arith.constant 0 : i32
      %dma_start3A_34 = arith.constant 0 : i32
      %dma_start3A_35 = tpu.memref_slice %arg8[%dma_start3A_33, %dma_start3A_34] : memref<10240x128xf32, #tpu.memory_space<vmem_shared>> -> memref<10240x128xf32, #tpu.memory_space<vmem_shared>>
      tpu.enqueue_indirect_dma source(%arg7 : memref<125x128xf32, #tpu.memory_space<vmem>>) target(%dma_start3A_35 : memref<10240x128xf32, #tpu.memory_space<vmem_shared>>) offsets(%dma_start3A_32 : memref<125xi32, #tpu.memory_space<vmem>>) semaphore(%arg9 : memref<!tpu.dma_semaphore, #tpu.memory_space<semaphore_mem>>) {add = true}
      %ge3A = arith.constant 2 : i32
      %ge3A_36 = arith.cmpi sge, %scan3A_29, %ge3A : i32
      %convert_element_type3A = arith.extui %ge3A_36 : i1 to i32
      %cond3A = arith.constant 0 : i32
      %cond3A_37 = arith.cmpi ne, %convert_element_type3A, %cond3A : i32
      scf.if %cond3A_37 {
        %sub3A = arith.constant 2 : i32
        %sub3A_38 = arith.subi %scan3A_29, %sub3A : i32
        %dma_wait3A_39 = arith.constant 0 : i32
        %dma_wait3A_40 = tpu.memref_slice %arg6[%sub3A_38, %dma_wait3A_39] : memref<80x125xi32, #tpu.memory_space<vmem>> -> memref<1x125xi32, #tpu.memory_space<vmem>>
        %dma_wait3A_41 = tpu.memref_squeeze %dma_wait3A_40 : memref<1x125xi32, #tpu.memory_space<vmem>> -> memref<125xi32, #tpu.memory_space<vmem>>
        %dma_wait3A_42 = arith.constant 0 : i32
        %dma_wait3A_43 = arith.constant 0 : i32
        %dma_wait3A_44 = tpu.memref_slice %arg8[%dma_wait3A_42, %dma_wait3A_43] : memref<10240x128xf32, #tpu.memory_space<vmem_shared>> -> memref<10240x128xf32, #tpu.memory_space<vmem_shared>>
        tpu.wait_indirect_dma semaphore(%arg9 : memref<!tpu.dma_semaphore, #tpu.memory_space<semaphore_mem>>) src(%arg7 : memref<125x128xf32, #tpu.memory_space<vmem>>) dst(%dma_wait3A_44 : memref<10240x128xf32, #tpu.memory_space<vmem_shared>>)
      } else {
      }
    }
    %scan3A_9 = arith.constant 80 : i32
    %dma_wait3A_10 = arith.constant 78 : i32
    %dma_wait3A_11 = arith.constant 0 : i32
    %dma_wait3A_12 = tpu.memref_slice %arg6[%dma_wait3A_10, %dma_wait3A_11] : memref<80x125xi32, #tpu.memory_space<vmem>> -> memref<1x125xi32, #tpu.memory_space<vmem>>
    %dma_wait3A_13 = tpu.memref_squeeze %dma_wait3A_12 : memref<1x125xi32, #tpu.memory_space<vmem>> -> memref<125xi32, #tpu.memory_space<vmem>>
    %dma_wait3A_14 = arith.constant 0 : i32
    %dma_wait3A_15 = arith.constant 0 : i32
    %dma_wait3A_16 = tpu.memref_slice %arg8[%dma_wait3A_14, %dma_wait3A_15] : memref<10240x128xf32, #tpu.memory_space<vmem_shared>> -> memref<10240x128xf32, #tpu.memory_space<vmem_shared>>
    tpu.wait_indirect_dma semaphore(%arg9 : memref<!tpu.dma_semaphore, #tpu.memory_space<semaphore_mem>>) src(%arg7 : memref<125x128xf32, #tpu.memory_space<vmem>>) dst(%dma_wait3A_16 : memref<10240x128xf32, #tpu.memory_space<vmem_shared>>)
    %dma_wait3A_17 = arith.constant 79 : i32
    %dma_wait3A_18 = arith.constant 0 : i32
    %dma_wait3A_19 = tpu.memref_slice %arg6[%dma_wait3A_17, %dma_wait3A_18] : memref<80x125xi32, #tpu.memory_space<vmem>> -> memref<1x125xi32, #tpu.memory_space<vmem>>
    %dma_wait3A_20 = tpu.memref_squeeze %dma_wait3A_19 : memref<1x125xi32, #tpu.memory_space<vmem>> -> memref<125xi32, #tpu.memory_space<vmem>>
    %dma_wait3A_21 = arith.constant 0 : i32
    %dma_wait3A_22 = arith.constant 0 : i32
    %dma_wait3A_23 = tpu.memref_slice %arg8[%dma_wait3A_21, %dma_wait3A_22] : memref<10240x128xf32, #tpu.memory_space<vmem_shared>> -> memref<10240x128xf32, #tpu.memory_space<vmem_shared>>
    tpu.wait_indirect_dma semaphore(%arg9 : memref<!tpu.dma_semaphore, #tpu.memory_space<semaphore_mem>>) src(%arg7 : memref<125x128xf32, #tpu.memory_space<vmem>>) dst(%dma_wait3A_23 : memref<10240x128xf32, #tpu.memory_space<vmem_shared>>)
    %barrier3A_24 = arith.constant 0 : index
    tpu.barrier barrier_id(%barrier3A_24)
    %mul3A_25 = arith.constant 640 : i32
    %mul3A_26 = arith.muli %arg1, %mul3A_25 : i32
    %mul3A_27 = arith.constant 640 : i32
    %mul3A_28 = arith.muli %arg1, %mul3A_27 : i32
    "tpu.region"() ({
      %run_scoped3A = tpu.sem_alloc : memref<!tpu.dma_semaphore, #tpu.memory_space<semaphore_mem>>
      %dma_start3A_29 = arith.constant 0 : i32
      %dma_start3A_30 = tpu.memref_slice %arg5[%arg0, %mul3A_28, %dma_start3A_29] : memref<2x10240x128xf32, #tpu.memory_space<hbm>> -> memref<1x640x128xf32, #tpu.memory_space<hbm>>
      %dma_start3A_31 = tpu.memref_squeeze %dma_start3A_30 : memref<1x640x128xf32, #tpu.memory_space<hbm>> -> memref<640x128xf32, #tpu.memory_space<hbm>>
      %dma_start3A_32 = arith.constant 0 : i32
      %dma_start3A_33 = tpu.memref_slice %arg8[%mul3A_26, %dma_start3A_32] : memref<10240x128xf32, #tpu.memory_space<vmem_shared>> -> memref<640x128xf32, #tpu.memory_space<vmem_shared>>
      tpu.enqueue_dma source(%dma_start3A_33 : memref<640x128xf32, #tpu.memory_space<vmem_shared>>) target(%dma_start3A_31 : memref<640x128xf32, #tpu.memory_space<hbm>>) target_semaphore(%run_scoped3A : memref<!tpu.dma_semaphore, #tpu.memory_space<semaphore_mem>>)
      %dma_wait3A_34 = arith.constant 0 : i32
      %dma_wait3A_35 = tpu.memref_slice %arg5[%arg0, %mul3A_28, %dma_wait3A_34] : memref<2x10240x128xf32, #tpu.memory_space<hbm>> -> memref<1x640x128xf32, #tpu.memory_space<hbm>>
      %dma_wait3A_36 = tpu.memref_squeeze %dma_wait3A_35 : memref<1x640x128xf32, #tpu.memory_space<hbm>> -> memref<640x128xf32, #tpu.memory_space<hbm>>
      %dma_wait3A_37 = arith.constant 0 : i32
      %dma_wait3A_38 = tpu.memref_slice %arg8[%mul3A_26, %dma_wait3A_37] : memref<10240x128xf32, #tpu.memory_space<vmem_shared>> -> memref<640x128xf32, #tpu.memory_space<vmem_shared>>
      tpu.wait_dma2 semaphore(%run_scoped3A : memref<!tpu.dma_semaphore, #tpu.memory_space<semaphore_mem>>) src(%dma_wait3A_38 : memref<640x128xf32, #tpu.memory_space<vmem_shared>>) dst(%dma_wait3A_36 : memref<640x128xf32, #tpu.memory_space<hbm>>)
      tpu.yield
    }) : () -> ()
    return
  }
}

#map = affine_map<(d0, d1) -> (0, 0)>
#map1 = affine_map<(d0, d1) -> (0, 0, 0)>
module attributes {stable_mosaic.version = 14 : i64} {
  func.func @_sc_agg(%arg0: i32, %arg1: i32, %arg2: memref<10240x128xf32, #tpu.memory_space<hbm>>, %arg3: memref<32x80x125xi32, #tpu.memory_space<hbm>>, %arg4: memref<32x80x125xi32, #tpu.memory_space<hbm>>, %arg5: memref<640x128xf32, #tpu.memory_space<hbm>>, %arg6: memref<2x10240x128xf32, #tpu.memory_space<hbm>>, %arg7: memref<80x125xi32, #tpu.memory_space<vmem>>, %arg8: memref<2x125x128xf32, #tpu.memory_space<vmem>>, %arg9: memref<10240x128xf32, #tpu.memory_space<vmem_shared>>, %arg10: memref<!tpu.dma_semaphore, #tpu.memory_space<semaphore_mem>>, %arg11: memref<!tpu.dma_semaphore, #tpu.memory_space<semaphore_mem>>, %arg12: memref<!tpu.dma_semaphore, #tpu.memory_space<semaphore_mem>>) attributes {dimension_semantics = [#tpu.dimension_semantics<core_parallel>, #tpu.dimension_semantics<subcore_parallel>], iteration_bounds = array<i64: 2, 16>, scalar_prefetch = 0 : i64, scratch_operands = 6 : i64, tpu.core_type = #tpu.core_type<sc_vector_subcore>, window_params = [{transform_indices = #map}, {transform_indices = #map1}, {transform_indices = #map1}, {transform_indices = #map}, {transform_indices = #map1}]} {
    %mul3A = arith.constant 16 : i32
    %mul3A_0 = arith.muli %arg0, %mul3A : i32
    %add3A = arith.addi %mul3A_0, %arg1 : i32
    %mul3A_1 = arith.constant 640 : i32
    %mul3A_2 = arith.muli %arg1, %mul3A_1 : i32
    %dma_start3A = arith.constant 0 : i32
    %dma_start3A_3 = tpu.memref_slice %arg9[%mul3A_2, %dma_start3A] : memref<10240x128xf32, #tpu.memory_space<vmem_shared>> -> memref<640x128xf32, #tpu.memory_space<vmem_shared>>
    tpu.enqueue_dma source(%arg5 : memref<640x128xf32, #tpu.memory_space<hbm>>) target(%dma_start3A_3 : memref<640x128xf32, #tpu.memory_space<vmem_shared>>) target_semaphore(%arg12 : memref<!tpu.dma_semaphore, #tpu.memory_space<semaphore_mem>>)
    "tpu.region"() ({
      %run_scoped3A = tpu.sem_alloc : memref<!tpu.dma_semaphore, #tpu.memory_space<semaphore_mem>>
      %dma_start3A_45 = arith.constant 0 : i32
      %dma_start3A_46 = arith.constant 0 : i32
      %dma_start3A_47 = tpu.memref_slice %arg7[%dma_start3A_45, %dma_start3A_46] : memref<80x125xi32, #tpu.memory_space<vmem>> -> memref<40x125xi32, #tpu.memory_space<vmem>>
      %dma_start3A_48 = arith.constant 0 : i32
      %dma_start3A_49 = arith.constant 0 : i32
      %dma_start3A_50 = tpu.memref_slice %arg3[%add3A, %dma_start3A_48, %dma_start3A_49] : memref<32x80x125xi32, #tpu.memory_space<hbm>> -> memref<1x40x125xi32, #tpu.memory_space<hbm>>
      %dma_start3A_51 = tpu.memref_squeeze %dma_start3A_50 : memref<1x40x125xi32, #tpu.memory_space<hbm>> -> memref<40x125xi32, #tpu.memory_space<hbm>>
      %dma_start3A_52 = arith.constant 0 : i32
      %dma_start3A_53 = arith.constant 0 : i32
      %dma_start3A_54 = tpu.memref_slice %arg7[%dma_start3A_52, %dma_start3A_53] : memref<80x125xi32, #tpu.memory_space<vmem>> -> memref<40x125xi32, #tpu.memory_space<vmem>>
      %dma_start3A_55 = arith.constant 0 : i32
      %dma_start3A_56 = arith.constant 0 : i32
      %dma_start3A_57 = tpu.memref_slice %arg3[%add3A, %dma_start3A_55, %dma_start3A_56] : memref<32x80x125xi32, #tpu.memory_space<hbm>> -> memref<1x40x125xi32, #tpu.memory_space<hbm>>
      %dma_start3A_58 = tpu.memref_squeeze %dma_start3A_57 : memref<1x40x125xi32, #tpu.memory_space<hbm>> -> memref<40x125xi32, #tpu.memory_space<hbm>>
      tpu.enqueue_dma source(%dma_start3A_58 : memref<40x125xi32, #tpu.memory_space<hbm>>) target(%dma_start3A_54 : memref<40x125xi32, #tpu.memory_space<vmem>>) target_semaphore(%run_scoped3A : memref<!tpu.dma_semaphore, #tpu.memory_space<semaphore_mem>>)
      %dma_wait3A_59 = arith.constant 0 : i32
      %dma_wait3A_60 = arith.constant 0 : i32
      %dma_wait3A_61 = tpu.memref_slice %arg7[%dma_wait3A_59, %dma_wait3A_60] : memref<80x125xi32, #tpu.memory_space<vmem>> -> memref<40x125xi32, #tpu.memory_space<vmem>>
      %dma_wait3A_62 = arith.constant 0 : i32
      %dma_wait3A_63 = arith.constant 0 : i32
      %dma_wait3A_64 = tpu.memref_slice %arg3[%add3A, %dma_wait3A_62, %dma_wait3A_63] : memref<32x80x125xi32, #tpu.memory_space<hbm>> -> memref<1x40x125xi32, #tpu.memory_space<hbm>>
      %dma_wait3A_65 = tpu.memref_squeeze %dma_wait3A_64 : memref<1x40x125xi32, #tpu.memory_space<hbm>> -> memref<40x125xi32, #tpu.memory_space<hbm>>
      %dma_wait3A_66 = arith.constant 0 : i32
      %dma_wait3A_67 = arith.constant 0 : i32
      %dma_wait3A_68 = tpu.memref_slice %arg7[%dma_wait3A_66, %dma_wait3A_67] : memref<80x125xi32, #tpu.memory_space<vmem>> -> memref<40x125xi32, #tpu.memory_space<vmem>>
      %dma_wait3A_69 = arith.constant 0 : i32
      %dma_wait3A_70 = arith.constant 0 : i32
      %dma_wait3A_71 = tpu.memref_slice %arg3[%add3A, %dma_wait3A_69, %dma_wait3A_70] : memref<32x80x125xi32, #tpu.memory_space<hbm>> -> memref<1x40x125xi32, #tpu.memory_space<hbm>>
      %dma_wait3A_72 = tpu.memref_squeeze %dma_wait3A_71 : memref<1x40x125xi32, #tpu.memory_space<hbm>> -> memref<40x125xi32, #tpu.memory_space<hbm>>
      tpu.wait_dma2 semaphore(%run_scoped3A : memref<!tpu.dma_semaphore, #tpu.memory_space<semaphore_mem>>) src(%dma_wait3A_72 : memref<40x125xi32, #tpu.memory_space<hbm>>) dst(%dma_wait3A_68 : memref<40x125xi32, #tpu.memory_space<vmem>>)
      tpu.yield
    }) : () -> ()
    "tpu.region"() ({
      %run_scoped3A = tpu.sem_alloc : memref<!tpu.dma_semaphore, #tpu.memory_space<semaphore_mem>>
      %dma_start3A_45 = arith.constant 40 : i32
      %dma_start3A_46 = arith.constant 0 : i32
      %dma_start3A_47 = tpu.memref_slice %arg7[%dma_start3A_45, %dma_start3A_46] : memref<80x125xi32, #tpu.memory_space<vmem>> -> memref<40x125xi32, #tpu.memory_space<vmem>>
      %dma_start3A_48 = arith.constant 0 : i32
      %dma_start3A_49 = arith.constant 0 : i32
      %dma_start3A_50 = tpu.memref_slice %arg4[%add3A, %dma_start3A_48, %dma_start3A_49] : memref<32x80x125xi32, #tpu.memory_space<hbm>> -> memref<1x40x125xi32, #tpu.memory_space<hbm>>
      %dma_start3A_51 = tpu.memref_squeeze %dma_start3A_50 : memref<1x40x125xi32, #tpu.memory_space<hbm>> -> memref<40x125xi32, #tpu.memory_space<hbm>>
      %dma_start3A_52 = arith.constant 40 : i32
      %dma_start3A_53 = arith.constant 0 : i32
      %dma_start3A_54 = tpu.memref_slice %arg7[%dma_start3A_52, %dma_start3A_53] : memref<80x125xi32, #tpu.memory_space<vmem>> -> memref<40x125xi32, #tpu.memory_space<vmem>>
      %dma_start3A_55 = arith.constant 0 : i32
      %dma_start3A_56 = arith.constant 0 : i32
      %dma_start3A_57 = tpu.memref_slice %arg4[%add3A, %dma_start3A_55, %dma_start3A_56] : memref<32x80x125xi32, #tpu.memory_space<hbm>> -> memref<1x40x125xi32, #tpu.memory_space<hbm>>
      %dma_start3A_58 = tpu.memref_squeeze %dma_start3A_57 : memref<1x40x125xi32, #tpu.memory_space<hbm>> -> memref<40x125xi32, #tpu.memory_space<hbm>>
      tpu.enqueue_dma source(%dma_start3A_58 : memref<40x125xi32, #tpu.memory_space<hbm>>) target(%dma_start3A_54 : memref<40x125xi32, #tpu.memory_space<vmem>>) target_semaphore(%run_scoped3A : memref<!tpu.dma_semaphore, #tpu.memory_space<semaphore_mem>>)
      %dma_wait3A_59 = arith.constant 40 : i32
      %dma_wait3A_60 = arith.constant 0 : i32
      %dma_wait3A_61 = tpu.memref_slice %arg7[%dma_wait3A_59, %dma_wait3A_60] : memref<80x125xi32, #tpu.memory_space<vmem>> -> memref<40x125xi32, #tpu.memory_space<vmem>>
      %dma_wait3A_62 = arith.constant 0 : i32
      %dma_wait3A_63 = arith.constant 0 : i32
      %dma_wait3A_64 = tpu.memref_slice %arg4[%add3A, %dma_wait3A_62, %dma_wait3A_63] : memref<32x80x125xi32, #tpu.memory_space<hbm>> -> memref<1x40x125xi32, #tpu.memory_space<hbm>>
      %dma_wait3A_65 = tpu.memref_squeeze %dma_wait3A_64 : memref<1x40x125xi32, #tpu.memory_space<hbm>> -> memref<40x125xi32, #tpu.memory_space<hbm>>
      %dma_wait3A_66 = arith.constant 40 : i32
      %dma_wait3A_67 = arith.constant 0 : i32
      %dma_wait3A_68 = tpu.memref_slice %arg7[%dma_wait3A_66, %dma_wait3A_67] : memref<80x125xi32, #tpu.memory_space<vmem>> -> memref<40x125xi32, #tpu.memory_space<vmem>>
      %dma_wait3A_69 = arith.constant 0 : i32
      %dma_wait3A_70 = arith.constant 0 : i32
      %dma_wait3A_71 = tpu.memref_slice %arg4[%add3A, %dma_wait3A_69, %dma_wait3A_70] : memref<32x80x125xi32, #tpu.memory_space<hbm>> -> memref<1x40x125xi32, #tpu.memory_space<hbm>>
      %dma_wait3A_72 = tpu.memref_squeeze %dma_wait3A_71 : memref<1x40x125xi32, #tpu.memory_space<hbm>> -> memref<40x125xi32, #tpu.memory_space<hbm>>
      tpu.wait_dma2 semaphore(%run_scoped3A : memref<!tpu.dma_semaphore, #tpu.memory_space<semaphore_mem>>) src(%dma_wait3A_72 : memref<40x125xi32, #tpu.memory_space<hbm>>) dst(%dma_wait3A_68 : memref<40x125xi32, #tpu.memory_space<vmem>>)
      tpu.yield
    }) : () -> ()
    %dma_start3A_4 = arith.constant 0 : i32
    %dma_start3A_5 = arith.constant 0 : i32
    %dma_start3A_6 = arith.constant 0 : i32
    %dma_start3A_7 = arith.constant 0 : i32
    %dma_start3A_8 = tpu.memref_slice %arg8[%dma_start3A_5, %dma_start3A_6, %dma_start3A_7] : memref<2x125x128xf32, #tpu.memory_space<vmem>> -> memref<1x125x128xf32, #tpu.memory_space<vmem>>
    %dma_start3A_9 = tpu.memref_squeeze %dma_start3A_8 : memref<1x125x128xf32, #tpu.memory_space<vmem>> -> memref<125x128xf32, #tpu.memory_space<vmem>>
    %dma_start3A_10 = arith.constant 0 : i32
    %dma_start3A_11 = tpu.memref_slice %arg7[%dma_start3A_4, %dma_start3A_10] : memref<80x125xi32, #tpu.memory_space<vmem>> -> memref<1x125xi32, #tpu.memory_space<vmem>>
    %dma_start3A_12 = tpu.memref_squeeze %dma_start3A_11 : memref<1x125xi32, #tpu.memory_space<vmem>> -> memref<125xi32, #tpu.memory_space<vmem>>
    %dma_start3A_13 = arith.constant 0 : i32
    %dma_start3A_14 = arith.constant 0 : i32
    %dma_start3A_15 = tpu.memref_slice %arg2[%dma_start3A_13, %dma_start3A_14] : memref<10240x128xf32, #tpu.memory_space<hbm>> -> memref<10240x128xf32, #tpu.memory_space<hbm>>
    tpu.enqueue_indirect_dma source(%dma_start3A_15 : memref<10240x128xf32, #tpu.memory_space<hbm>>) target(%dma_start3A_9 : memref<125x128xf32, #tpu.memory_space<vmem>>) offsets(%dma_start3A_12 : memref<125xi32, #tpu.memory_space<vmem>>) semaphore(%arg10 : memref<!tpu.dma_semaphore, #tpu.memory_space<semaphore_mem>>)
    %dma_wait3A = arith.constant 0 : i32
    %dma_wait3A_16 = tpu.memref_slice %arg9[%mul3A_2, %dma_wait3A] : memref<10240x128xf32, #tpu.memory_space<vmem_shared>> -> memref<640x128xf32, #tpu.memory_space<vmem_shared>>
    tpu.wait_dma2 semaphore(%arg12 : memref<!tpu.dma_semaphore, #tpu.memory_space<semaphore_mem>>) src(%arg5 : memref<640x128xf32, #tpu.memory_space<hbm>>) dst(%dma_wait3A_16 : memref<640x128xf32, #tpu.memory_space<vmem_shared>>)
    %barrier3A = arith.constant 0 : index
    tpu.barrier barrier_id(%barrier3A)
    %scan3A = arith.constant 0 : i32
    %scan3A_17 = arith.constant 0 : i32
    %scan3A_18 = arith.constant 20 : i32
    %scan3A_19 = arith.addi %scan3A_17, %scan3A_18 : i32
    %scan3A_20 = arith.constant 1 : i32
    scf.for %scan3A_45 = %scan3A_17 to %scan3A_19 step %scan3A_20  : i32 {
      %mul3A_46 = arith.constant 2 : i32
      %mul3A_47 = arith.muli %scan3A_45, %mul3A_46 : i32
      %add3A_48 = arith.constant 1 : i32
      %add3A_49 = arith.addi %mul3A_47, %add3A_48 : i32
      %dma_start3A_50 = arith.constant 1 : i32
      %dma_start3A_51 = arith.constant 0 : i32
      %dma_start3A_52 = arith.constant 0 : i32
      %dma_start3A_53 = tpu.memref_slice %arg8[%dma_start3A_50, %dma_start3A_51, %dma_start3A_52] : memref<2x125x128xf32, #tpu.memory_space<vmem>> -> memref<1x125x128xf32, #tpu.memory_space<vmem>>
      %dma_start3A_54 = tpu.memref_squeeze %dma_start3A_53 : memref<1x125x128xf32, #tpu.memory_space<vmem>> -> memref<125x128xf32, #tpu.memory_space<vmem>>
      %dma_start3A_55 = arith.constant 0 : i32
      %dma_start3A_56 = tpu.memref_slice %arg7[%add3A_49, %dma_start3A_55] : memref<80x125xi32, #tpu.memory_space<vmem>> -> memref<1x125xi32, #tpu.memory_space<vmem>>
      %dma_start3A_57 = tpu.memref_squeeze %dma_start3A_56 : memref<1x125xi32, #tpu.memory_space<vmem>> -> memref<125xi32, #tpu.memory_space<vmem>>
      %dma_start3A_58 = arith.constant 0 : i32
      %dma_start3A_59 = arith.constant 0 : i32
      %dma_start3A_60 = tpu.memref_slice %arg2[%dma_start3A_58, %dma_start3A_59] : memref<10240x128xf32, #tpu.memory_space<hbm>> -> memref<10240x128xf32, #tpu.memory_space<hbm>>
      tpu.enqueue_indirect_dma source(%dma_start3A_60 : memref<10240x128xf32, #tpu.memory_space<hbm>>) target(%dma_start3A_54 : memref<125x128xf32, #tpu.memory_space<vmem>>) offsets(%dma_start3A_57 : memref<125xi32, #tpu.memory_space<vmem>>) semaphore(%arg11 : memref<!tpu.dma_semaphore, #tpu.memory_space<semaphore_mem>>)
      %dma_wait3A_61 = arith.constant 0 : i32
      %dma_wait3A_62 = arith.constant 0 : i32
      %dma_wait3A_63 = arith.constant 0 : i32
      %dma_wait3A_64 = tpu.memref_slice %arg8[%dma_wait3A_61, %dma_wait3A_62, %dma_wait3A_63] : memref<2x125x128xf32, #tpu.memory_space<vmem>> -> memref<1x125x128xf32, #tpu.memory_space<vmem>>
      %dma_wait3A_65 = tpu.memref_squeeze %dma_wait3A_64 : memref<1x125x128xf32, #tpu.memory_space<vmem>> -> memref<125x128xf32, #tpu.memory_space<vmem>>
      %dma_wait3A_66 = arith.constant 0 : i32
      %dma_wait3A_67 = tpu.memref_slice %arg7[%mul3A_47, %dma_wait3A_66] : memref<80x125xi32, #tpu.memory_space<vmem>> -> memref<1x125xi32, #tpu.memory_space<vmem>>
      %dma_wait3A_68 = tpu.memref_squeeze %dma_wait3A_67 : memref<1x125xi32, #tpu.memory_space<vmem>> -> memref<125xi32, #tpu.memory_space<vmem>>
      %dma_wait3A_69 = arith.constant 0 : i32
      %dma_wait3A_70 = arith.constant 0 : i32
      %dma_wait3A_71 = tpu.memref_slice %arg2[%dma_wait3A_69, %dma_wait3A_70] : memref<10240x128xf32, #tpu.memory_space<hbm>> -> memref<10240x128xf32, #tpu.memory_space<hbm>>
      tpu.wait_indirect_dma semaphore(%arg10 : memref<!tpu.dma_semaphore, #tpu.memory_space<semaphore_mem>>) src(%dma_wait3A_71 : memref<10240x128xf32, #tpu.memory_space<hbm>>) dst(%dma_wait3A_65 : memref<125x128xf32, #tpu.memory_space<vmem>>)
      %add3A_72 = arith.constant 40 : i32
      %add3A_73 = arith.addi %add3A_72, %mul3A_47 : i32
      %run_scoped3A = arith.constant 0 : i32
      "tpu.region"() ({
        %run_scoped3A_96 = tpu.sem_alloc : memref<!tpu.dma_semaphore, #tpu.memory_space<semaphore_mem>>
        %dma_start3A_97 = arith.constant 0 : i32
        %dma_start3A_98 = arith.constant 0 : i32
        %dma_start3A_99 = tpu.memref_slice %arg8[%run_scoped3A, %dma_start3A_97, %dma_start3A_98] : memref<2x125x128xf32, #tpu.memory_space<vmem>> -> memref<1x125x128xf32, #tpu.memory_space<vmem>>
        %dma_start3A_100 = tpu.memref_squeeze %dma_start3A_99 : memref<1x125x128xf32, #tpu.memory_space<vmem>> -> memref<125x128xf32, #tpu.memory_space<vmem>>
        %dma_start3A_101 = arith.constant 0 : i32
        %dma_start3A_102 = tpu.memref_slice %arg7[%add3A_73, %dma_start3A_101] : memref<80x125xi32, #tpu.memory_space<vmem>> -> memref<1x125xi32, #tpu.memory_space<vmem>>
        %dma_start3A_103 = tpu.memref_squeeze %dma_start3A_102 : memref<1x125xi32, #tpu.memory_space<vmem>> -> memref<125xi32, #tpu.memory_space<vmem>>
        %dma_start3A_104 = arith.constant 0 : i32
        %dma_start3A_105 = arith.constant 0 : i32
        %dma_start3A_106 = tpu.memref_slice %arg9[%dma_start3A_104, %dma_start3A_105] : memref<10240x128xf32, #tpu.memory_space<vmem_shared>> -> memref<10240x128xf32, #tpu.memory_space<vmem_shared>>
        tpu.enqueue_indirect_dma source(%dma_start3A_100 : memref<125x128xf32, #tpu.memory_space<vmem>>) target(%dma_start3A_106 : memref<10240x128xf32, #tpu.memory_space<vmem_shared>>) offsets(%dma_start3A_103 : memref<125xi32, #tpu.memory_space<vmem>>) semaphore(%run_scoped3A_96 : memref<!tpu.dma_semaphore, #tpu.memory_space<semaphore_mem>>) {add = true}
        %dma_wait3A_107 = arith.constant 0 : i32
        %dma_wait3A_108 = arith.constant 0 : i32
        %dma_wait3A_109 = tpu.memref_slice %arg8[%run_scoped3A, %dma_wait3A_107, %dma_wait3A_108] : memref<2x125x128xf32, #tpu.memory_space<vmem>> -> memref<1x125x128xf32, #tpu.memory_space<vmem>>
        %dma_wait3A_110 = tpu.memref_squeeze %dma_wait3A_109 : memref<1x125x128xf32, #tpu.memory_space<vmem>> -> memref<125x128xf32, #tpu.memory_space<vmem>>
        %dma_wait3A_111 = arith.constant 0 : i32
        %dma_wait3A_112 = tpu.memref_slice %arg7[%add3A_73, %dma_wait3A_111] : memref<80x125xi32, #tpu.memory_space<vmem>> -> memref<1x125xi32, #tpu.memory_space<vmem>>
        %dma_wait3A_113 = tpu.memref_squeeze %dma_wait3A_112 : memref<1x125xi32, #tpu.memory_space<vmem>> -> memref<125xi32, #tpu.memory_space<vmem>>
        %dma_wait3A_114 = arith.constant 0 : i32
        %dma_wait3A_115 = arith.constant 0 : i32
        %dma_wait3A_116 = tpu.memref_slice %arg9[%dma_wait3A_114, %dma_wait3A_115] : memref<10240x128xf32, #tpu.memory_space<vmem_shared>> -> memref<10240x128xf32, #tpu.memory_space<vmem_shared>>
        tpu.wait_indirect_dma semaphore(%run_scoped3A_96 : memref<!tpu.dma_semaphore, #tpu.memory_space<semaphore_mem>>) src(%dma_wait3A_110 : memref<125x128xf32, #tpu.memory_space<vmem>>) dst(%dma_wait3A_116 : memref<10240x128xf32, #tpu.memory_space<vmem_shared>>)
        tpu.yield
      }) : () -> ()
      %add3A_74 = arith.constant 1 : i32
      %add3A_75 = arith.addi %scan3A_45, %add3A_74 : i32
      %lt3A = arith.constant 20 : i32
      %lt3A_76 = arith.cmpi slt, %add3A_75, %lt3A : i32
      %convert_element_type3A = arith.extui %lt3A_76 : i1 to i32
      %cond3A = arith.constant 0 : i32
      %cond3A_77 = arith.cmpi ne, %convert_element_type3A, %cond3A : i32
      scf.if %cond3A_77 {
        %add3A_96 = arith.constant 2 : i32
        %add3A_97 = arith.addi %mul3A_47, %add3A_96 : i32
        %dma_start3A_98 = arith.constant 0 : i32
        %dma_start3A_99 = arith.constant 0 : i32
        %dma_start3A_100 = arith.constant 0 : i32
        %dma_start3A_101 = tpu.memref_slice %arg8[%dma_start3A_98, %dma_start3A_99, %dma_start3A_100] : memref<2x125x128xf32, #tpu.memory_space<vmem>> -> memref<1x125x128xf32, #tpu.memory_space<vmem>>
        %dma_start3A_102 = tpu.memref_squeeze %dma_start3A_101 : memref<1x125x128xf32, #tpu.memory_space<vmem>> -> memref<125x128xf32, #tpu.memory_space<vmem>>
        %dma_start3A_103 = arith.constant 0 : i32
        %dma_start3A_104 = tpu.memref_slice %arg7[%add3A_97, %dma_start3A_103] : memref<80x125xi32, #tpu.memory_space<vmem>> -> memref<1x125xi32, #tpu.memory_space<vmem>>
        %dma_start3A_105 = tpu.memref_squeeze %dma_start3A_104 : memref<1x125xi32, #tpu.memory_space<vmem>> -> memref<125xi32, #tpu.memory_space<vmem>>
        %dma_start3A_106 = arith.constant 0 : i32
        %dma_start3A_107 = arith.constant 0 : i32
        %dma_start3A_108 = tpu.memref_slice %arg2[%dma_start3A_106, %dma_start3A_107] : memref<10240x128xf32, #tpu.memory_space<hbm>> -> memref<10240x128xf32, #tpu.memory_space<hbm>>
        tpu.enqueue_indirect_dma source(%dma_start3A_108 : memref<10240x128xf32, #tpu.memory_space<hbm>>) target(%dma_start3A_102 : memref<125x128xf32, #tpu.memory_space<vmem>>) offsets(%dma_start3A_105 : memref<125xi32, #tpu.memory_space<vmem>>) semaphore(%arg10 : memref<!tpu.dma_semaphore, #tpu.memory_space<semaphore_mem>>)
      } else {
      }
      %add3A_78 = arith.constant 1 : i32
      %add3A_79 = arith.addi %mul3A_47, %add3A_78 : i32
      %dma_wait3A_80 = arith.constant 1 : i32
      %dma_wait3A_81 = arith.constant 0 : i32
      %dma_wait3A_82 = arith.constant 0 : i32
      %dma_wait3A_83 = tpu.memref_slice %arg8[%dma_wait3A_80, %dma_wait3A_81, %dma_wait3A_82] : memref<2x125x128xf32, #tpu.memory_space<vmem>> -> memref<1x125x128xf32, #tpu.memory_space<vmem>>
      %dma_wait3A_84 = tpu.memref_squeeze %dma_wait3A_83 : memref<1x125x128xf32, #tpu.memory_space<vmem>> -> memref<125x128xf32, #tpu.memory_space<vmem>>
      %dma_wait3A_85 = arith.constant 0 : i32
      %dma_wait3A_86 = tpu.memref_slice %arg7[%add3A_79, %dma_wait3A_85] : memref<80x125xi32, #tpu.memory_space<vmem>> -> memref<1x125xi32, #tpu.memory_space<vmem>>
      %dma_wait3A_87 = tpu.memref_squeeze %dma_wait3A_86 : memref<1x125xi32, #tpu.memory_space<vmem>> -> memref<125xi32, #tpu.memory_space<vmem>>
      %dma_wait3A_88 = arith.constant 0 : i32
      %dma_wait3A_89 = arith.constant 0 : i32
      %dma_wait3A_90 = tpu.memref_slice %arg2[%dma_wait3A_88, %dma_wait3A_89] : memref<10240x128xf32, #tpu.memory_space<hbm>> -> memref<10240x128xf32, #tpu.memory_space<hbm>>
      tpu.wait_indirect_dma semaphore(%arg11 : memref<!tpu.dma_semaphore, #tpu.memory_space<semaphore_mem>>) src(%dma_wait3A_90 : memref<10240x128xf32, #tpu.memory_space<hbm>>) dst(%dma_wait3A_84 : memref<125x128xf32, #tpu.memory_space<vmem>>)
      %add3A_91 = arith.constant 40 : i32
      %add3A_92 = arith.addi %add3A_91, %mul3A_47 : i32
      %add3A_93 = arith.constant 1 : i32
      %add3A_94 = arith.addi %add3A_92, %add3A_93 : i32
      %run_scoped3A_95 = arith.constant 1 : i32
      "tpu.region"() ({
        %run_scoped3A_96 = tpu.sem_alloc : memref<!tpu.dma_semaphore, #tpu.memory_space<semaphore_mem>>
        %dma_start3A_97 = arith.constant 0 : i32
        %dma_start3A_98 = arith.constant 0 : i32
        %dma_start3A_99 = tpu.memref_slice %arg8[%run_scoped3A_95, %dma_start3A_97, %dma_start3A_98] : memref<2x125x128xf32, #tpu.memory_space<vmem>> -> memref<1x125x128xf32, #tpu.memory_space<vmem>>
        %dma_start3A_100 = tpu.memref_squeeze %dma_start3A_99 : memref<1x125x128xf32, #tpu.memory_space<vmem>> -> memref<125x128xf32, #tpu.memory_space<vmem>>
        %dma_start3A_101 = arith.constant 0 : i32
        %dma_start3A_102 = tpu.memref_slice %arg7[%add3A_94, %dma_start3A_101] : memref<80x125xi32, #tpu.memory_space<vmem>> -> memref<1x125xi32, #tpu.memory_space<vmem>>
        %dma_start3A_103 = tpu.memref_squeeze %dma_start3A_102 : memref<1x125xi32, #tpu.memory_space<vmem>> -> memref<125xi32, #tpu.memory_space<vmem>>
        %dma_start3A_104 = arith.constant 0 : i32
        %dma_start3A_105 = arith.constant 0 : i32
        %dma_start3A_106 = tpu.memref_slice %arg9[%dma_start3A_104, %dma_start3A_105] : memref<10240x128xf32, #tpu.memory_space<vmem_shared>> -> memref<10240x128xf32, #tpu.memory_space<vmem_shared>>
        tpu.enqueue_indirect_dma source(%dma_start3A_100 : memref<125x128xf32, #tpu.memory_space<vmem>>) target(%dma_start3A_106 : memref<10240x128xf32, #tpu.memory_space<vmem_shared>>) offsets(%dma_start3A_103 : memref<125xi32, #tpu.memory_space<vmem>>) semaphore(%run_scoped3A_96 : memref<!tpu.dma_semaphore, #tpu.memory_space<semaphore_mem>>) {add = true}
        %dma_wait3A_107 = arith.constant 0 : i32
        %dma_wait3A_108 = arith.constant 0 : i32
        %dma_wait3A_109 = tpu.memref_slice %arg8[%run_scoped3A_95, %dma_wait3A_107, %dma_wait3A_108] : memref<2x125x128xf32, #tpu.memory_space<vmem>> -> memref<1x125x128xf32, #tpu.memory_space<vmem>>
        %dma_wait3A_110 = tpu.memref_squeeze %dma_wait3A_109 : memref<1x125x128xf32, #tpu.memory_space<vmem>> -> memref<125x128xf32, #tpu.memory_space<vmem>>
        %dma_wait3A_111 = arith.constant 0 : i32
        %dma_wait3A_112 = tpu.memref_slice %arg7[%add3A_94, %dma_wait3A_111] : memref<80x125xi32, #tpu.memory_space<vmem>> -> memref<1x125xi32, #tpu.memory_space<vmem>>
        %dma_wait3A_113 = tpu.memref_squeeze %dma_wait3A_112 : memref<1x125xi32, #tpu.memory_space<vmem>> -> memref<125xi32, #tpu.memory_space<vmem>>
        %dma_wait3A_114 = arith.constant 0 : i32
        %dma_wait3A_115 = arith.constant 0 : i32
        %dma_wait3A_116 = tpu.memref_slice %arg9[%dma_wait3A_114, %dma_wait3A_115] : memref<10240x128xf32, #tpu.memory_space<vmem_shared>> -> memref<10240x128xf32, #tpu.memory_space<vmem_shared>>
        tpu.wait_indirect_dma semaphore(%run_scoped3A_96 : memref<!tpu.dma_semaphore, #tpu.memory_space<semaphore_mem>>) src(%dma_wait3A_110 : memref<125x128xf32, #tpu.memory_space<vmem>>) dst(%dma_wait3A_116 : memref<10240x128xf32, #tpu.memory_space<vmem_shared>>)
        tpu.yield
      }) : () -> ()
    }
    %scan3A_21 = arith.constant 20 : i32
    "tpu.region"() ({
      %run_scoped3A = tpu.sem_alloc : memref<!tpu.dma_semaphore, #tpu.memory_space<semaphore_mem>>
      %dma_start3A_45 = arith.constant 0 : i32
      %dma_start3A_46 = arith.constant 0 : i32
      %dma_start3A_47 = tpu.memref_slice %arg7[%dma_start3A_45, %dma_start3A_46] : memref<80x125xi32, #tpu.memory_space<vmem>> -> memref<40x125xi32, #tpu.memory_space<vmem>>
      %dma_start3A_48 = arith.constant 40 : i32
      %dma_start3A_49 = arith.constant 0 : i32
      %dma_start3A_50 = tpu.memref_slice %arg3[%add3A, %dma_start3A_48, %dma_start3A_49] : memref<32x80x125xi32, #tpu.memory_space<hbm>> -> memref<1x40x125xi32, #tpu.memory_space<hbm>>
      %dma_start3A_51 = tpu.memref_squeeze %dma_start3A_50 : memref<1x40x125xi32, #tpu.memory_space<hbm>> -> memref<40x125xi32, #tpu.memory_space<hbm>>
      %dma_start3A_52 = arith.constant 0 : i32
      %dma_start3A_53 = arith.constant 0 : i32
      %dma_start3A_54 = tpu.memref_slice %arg7[%dma_start3A_52, %dma_start3A_53] : memref<80x125xi32, #tpu.memory_space<vmem>> -> memref<40x125xi32, #tpu.memory_space<vmem>>
      %dma_start3A_55 = arith.constant 40 : i32
      %dma_start3A_56 = arith.constant 0 : i32
      %dma_start3A_57 = tpu.memref_slice %arg3[%add3A, %dma_start3A_55, %dma_start3A_56] : memref<32x80x125xi32, #tpu.memory_space<hbm>> -> memref<1x40x125xi32, #tpu.memory_space<hbm>>
      %dma_start3A_58 = tpu.memref_squeeze %dma_start3A_57 : memref<1x40x125xi32, #tpu.memory_space<hbm>> -> memref<40x125xi32, #tpu.memory_space<hbm>>
      tpu.enqueue_dma source(%dma_start3A_58 : memref<40x125xi32, #tpu.memory_space<hbm>>) target(%dma_start3A_54 : memref<40x125xi32, #tpu.memory_space<vmem>>) target_semaphore(%run_scoped3A : memref<!tpu.dma_semaphore, #tpu.memory_space<semaphore_mem>>)
      %dma_wait3A_59 = arith.constant 0 : i32
      %dma_wait3A_60 = arith.constant 0 : i32
      %dma_wait3A_61 = tpu.memref_slice %arg7[%dma_wait3A_59, %dma_wait3A_60] : memref<80x125xi32, #tpu.memory_space<vmem>> -> memref<40x125xi32, #tpu.memory_space<vmem>>
      %dma_wait3A_62 = arith.constant 40 : i32
      %dma_wait3A_63 = arith.constant 0 : i32
      %dma_wait3A_64 = tpu.memref_slice %arg3[%add3A, %dma_wait3A_62, %dma_wait3A_63] : memref<32x80x125xi32, #tpu.memory_space<hbm>> -> memref<1x40x125xi32, #tpu.memory_space<hbm>>
      %dma_wait3A_65 = tpu.memref_squeeze %dma_wait3A_64 : memref<1x40x125xi32, #tpu.memory_space<hbm>> -> memref<40x125xi32, #tpu.memory_space<hbm>>
      %dma_wait3A_66 = arith.constant 0 : i32
      %dma_wait3A_67 = arith.constant 0 : i32
      %dma_wait3A_68 = tpu.memref_slice %arg7[%dma_wait3A_66, %dma_wait3A_67] : memref<80x125xi32, #tpu.memory_space<vmem>> -> memref<40x125xi32, #tpu.memory_space<vmem>>
      %dma_wait3A_69 = arith.constant 40 : i32
      %dma_wait3A_70 = arith.constant 0 : i32
      %dma_wait3A_71 = tpu.memref_slice %arg3[%add3A, %dma_wait3A_69, %dma_wait3A_70] : memref<32x80x125xi32, #tpu.memory_space<hbm>> -> memref<1x40x125xi32, #tpu.memory_space<hbm>>
      %dma_wait3A_72 = tpu.memref_squeeze %dma_wait3A_71 : memref<1x40x125xi32, #tpu.memory_space<hbm>> -> memref<40x125xi32, #tpu.memory_space<hbm>>
      tpu.wait_dma2 semaphore(%run_scoped3A : memref<!tpu.dma_semaphore, #tpu.memory_space<semaphore_mem>>) src(%dma_wait3A_72 : memref<40x125xi32, #tpu.memory_space<hbm>>) dst(%dma_wait3A_68 : memref<40x125xi32, #tpu.memory_space<vmem>>)
      tpu.yield
    }) : () -> ()
    "tpu.region"() ({
      %run_scoped3A = tpu.sem_alloc : memref<!tpu.dma_semaphore, #tpu.memory_space<semaphore_mem>>
      %dma_start3A_45 = arith.constant 40 : i32
      %dma_start3A_46 = arith.constant 0 : i32
      %dma_start3A_47 = tpu.memref_slice %arg7[%dma_start3A_45, %dma_start3A_46] : memref<80x125xi32, #tpu.memory_space<vmem>> -> memref<40x125xi32, #tpu.memory_space<vmem>>
      %dma_start3A_48 = arith.constant 40 : i32
      %dma_start3A_49 = arith.constant 0 : i32
      %dma_start3A_50 = tpu.memref_slice %arg4[%add3A, %dma_start3A_48, %dma_start3A_49] : memref<32x80x125xi32, #tpu.memory_space<hbm>> -> memref<1x40x125xi32, #tpu.memory_space<hbm>>
      %dma_start3A_51 = tpu.memref_squeeze %dma_start3A_50 : memref<1x40x125xi32, #tpu.memory_space<hbm>> -> memref<40x125xi32, #tpu.memory_space<hbm>>
      %dma_start3A_52 = arith.constant 40 : i32
      %dma_start3A_53 = arith.constant 0 : i32
      %dma_start3A_54 = tpu.memref_slice %arg7[%dma_start3A_52, %dma_start3A_53] : memref<80x125xi32, #tpu.memory_space<vmem>> -> memref<40x125xi32, #tpu.memory_space<vmem>>
      %dma_start3A_55 = arith.constant 40 : i32
      %dma_start3A_56 = arith.constant 0 : i32
      %dma_start3A_57 = tpu.memref_slice %arg4[%add3A, %dma_start3A_55, %dma_start3A_56] : memref<32x80x125xi32, #tpu.memory_space<hbm>> -> memref<1x40x125xi32, #tpu.memory_space<hbm>>
      %dma_start3A_58 = tpu.memref_squeeze %dma_start3A_57 : memref<1x40x125xi32, #tpu.memory_space<hbm>> -> memref<40x125xi32, #tpu.memory_space<hbm>>
      tpu.enqueue_dma source(%dma_start3A_58 : memref<40x125xi32, #tpu.memory_space<hbm>>) target(%dma_start3A_54 : memref<40x125xi32, #tpu.memory_space<vmem>>) target_semaphore(%run_scoped3A : memref<!tpu.dma_semaphore, #tpu.memory_space<semaphore_mem>>)
      %dma_wait3A_59 = arith.constant 40 : i32
      %dma_wait3A_60 = arith.constant 0 : i32
      %dma_wait3A_61 = tpu.memref_slice %arg7[%dma_wait3A_59, %dma_wait3A_60] : memref<80x125xi32, #tpu.memory_space<vmem>> -> memref<40x125xi32, #tpu.memory_space<vmem>>
      %dma_wait3A_62 = arith.constant 40 : i32
      %dma_wait3A_63 = arith.constant 0 : i32
      %dma_wait3A_64 = tpu.memref_slice %arg4[%add3A, %dma_wait3A_62, %dma_wait3A_63] : memref<32x80x125xi32, #tpu.memory_space<hbm>> -> memref<1x40x125xi32, #tpu.memory_space<hbm>>
      %dma_wait3A_65 = tpu.memref_squeeze %dma_wait3A_64 : memref<1x40x125xi32, #tpu.memory_space<hbm>> -> memref<40x125xi32, #tpu.memory_space<hbm>>
      %dma_wait3A_66 = arith.constant 40 : i32
      %dma_wait3A_67 = arith.constant 0 : i32
      %dma_wait3A_68 = tpu.memref_slice %arg7[%dma_wait3A_66, %dma_wait3A_67] : memref<80x125xi32, #tpu.memory_space<vmem>> -> memref<40x125xi32, #tpu.memory_space<vmem>>
      %dma_wait3A_69 = arith.constant 40 : i32
      %dma_wait3A_70 = arith.constant 0 : i32
      %dma_wait3A_71 = tpu.memref_slice %arg4[%add3A, %dma_wait3A_69, %dma_wait3A_70] : memref<32x80x125xi32, #tpu.memory_space<hbm>> -> memref<1x40x125xi32, #tpu.memory_space<hbm>>
      %dma_wait3A_72 = tpu.memref_squeeze %dma_wait3A_71 : memref<1x40x125xi32, #tpu.memory_space<hbm>> -> memref<40x125xi32, #tpu.memory_space<hbm>>
      tpu.wait_dma2 semaphore(%run_scoped3A : memref<!tpu.dma_semaphore, #tpu.memory_space<semaphore_mem>>) src(%dma_wait3A_72 : memref<40x125xi32, #tpu.memory_space<hbm>>) dst(%dma_wait3A_68 : memref<40x125xi32, #tpu.memory_space<vmem>>)
      tpu.yield
    }) : () -> ()
    %dma_start3A_22 = arith.constant 0 : i32
    %dma_start3A_23 = arith.constant 0 : i32
    %dma_start3A_24 = arith.constant 0 : i32
    %dma_start3A_25 = arith.constant 0 : i32
    %dma_start3A_26 = tpu.memref_slice %arg8[%dma_start3A_23, %dma_start3A_24, %dma_start3A_25] : memref<2x125x128xf32, #tpu.memory_space<vmem>> -> memref<1x125x128xf32, #tpu.memory_space<vmem>>
    %dma_start3A_27 = tpu.memref_squeeze %dma_start3A_26 : memref<1x125x128xf32, #tpu.memory_space<vmem>> -> memref<125x128xf32, #tpu.memory_space<vmem>>
    %dma_start3A_28 = arith.constant 0 : i32
    %dma_start3A_29 = tpu.memref_slice %arg7[%dma_start3A_22, %dma_start3A_28] : memref<80x125xi32, #tpu.memory_space<vmem>> -> memref<1x125xi32, #tpu.memory_space<vmem>>
    %dma_start3A_30 = tpu.memref_squeeze %dma_start3A_29 : memref<1x125xi32, #tpu.memory_space<vmem>> -> memref<125xi32, #tpu.memory_space<vmem>>
    %dma_start3A_31 = arith.constant 0 : i32
    %dma_start3A_32 = arith.constant 0 : i32
    %dma_start3A_33 = tpu.memref_slice %arg2[%dma_start3A_31, %dma_start3A_32] : memref<10240x128xf32, #tpu.memory_space<hbm>> -> memref<10240x128xf32, #tpu.memory_space<hbm>>
    tpu.enqueue_indirect_dma source(%dma_start3A_33 : memref<10240x128xf32, #tpu.memory_space<hbm>>) target(%dma_start3A_27 : memref<125x128xf32, #tpu.memory_space<vmem>>) offsets(%dma_start3A_30 : memref<125xi32, #tpu.memory_space<vmem>>) semaphore(%arg10 : memref<!tpu.dma_semaphore, #tpu.memory_space<semaphore_mem>>)
    %scan3A_34 = arith.constant 0 : i32
    %scan3A_35 = arith.constant 0 : i32
    %scan3A_36 = arith.constant 20 : i32
    %scan3A_37 = arith.addi %scan3A_35, %scan3A_36 : i32
    %scan3A_38 = arith.constant 1 : i32
    scf.for %scan3A_45 = %scan3A_35 to %scan3A_37 step %scan3A_38  : i32 {
      %mul3A_46 = arith.constant 2 : i32
      %mul3A_47 = arith.muli %scan3A_45, %mul3A_46 : i32
      %add3A_48 = arith.constant 1 : i32
      %add3A_49 = arith.addi %mul3A_47, %add3A_48 : i32
      %dma_start3A_50 = arith.constant 1 : i32
      %dma_start3A_51 = arith.constant 0 : i32
      %dma_start3A_52 = arith.constant 0 : i32
      %dma_start3A_53 = tpu.memref_slice %arg8[%dma_start3A_50, %dma_start3A_51, %dma_start3A_52] : memref<2x125x128xf32, #tpu.memory_space<vmem>> -> memref<1x125x128xf32, #tpu.memory_space<vmem>>
      %dma_start3A_54 = tpu.memref_squeeze %dma_start3A_53 : memref<1x125x128xf32, #tpu.memory_space<vmem>> -> memref<125x128xf32, #tpu.memory_space<vmem>>
      %dma_start3A_55 = arith.constant 0 : i32
      %dma_start3A_56 = tpu.memref_slice %arg7[%add3A_49, %dma_start3A_55] : memref<80x125xi32, #tpu.memory_space<vmem>> -> memref<1x125xi32, #tpu.memory_space<vmem>>
      %dma_start3A_57 = tpu.memref_squeeze %dma_start3A_56 : memref<1x125xi32, #tpu.memory_space<vmem>> -> memref<125xi32, #tpu.memory_space<vmem>>
      %dma_start3A_58 = arith.constant 0 : i32
      %dma_start3A_59 = arith.constant 0 : i32
      %dma_start3A_60 = tpu.memref_slice %arg2[%dma_start3A_58, %dma_start3A_59] : memref<10240x128xf32, #tpu.memory_space<hbm>> -> memref<10240x128xf32, #tpu.memory_space<hbm>>
      tpu.enqueue_indirect_dma source(%dma_start3A_60 : memref<10240x128xf32, #tpu.memory_space<hbm>>) target(%dma_start3A_54 : memref<125x128xf32, #tpu.memory_space<vmem>>) offsets(%dma_start3A_57 : memref<125xi32, #tpu.memory_space<vmem>>) semaphore(%arg11 : memref<!tpu.dma_semaphore, #tpu.memory_space<semaphore_mem>>)
      %dma_wait3A_61 = arith.constant 0 : i32
      %dma_wait3A_62 = arith.constant 0 : i32
      %dma_wait3A_63 = arith.constant 0 : i32
      %dma_wait3A_64 = tpu.memref_slice %arg8[%dma_wait3A_61, %dma_wait3A_62, %dma_wait3A_63] : memref<2x125x128xf32, #tpu.memory_space<vmem>> -> memref<1x125x128xf32, #tpu.memory_space<vmem>>
      %dma_wait3A_65 = tpu.memref_squeeze %dma_wait3A_64 : memref<1x125x128xf32, #tpu.memory_space<vmem>> -> memref<125x128xf32, #tpu.memory_space<vmem>>
      %dma_wait3A_66 = arith.constant 0 : i32
      %dma_wait3A_67 = tpu.memref_slice %arg7[%mul3A_47, %dma_wait3A_66] : memref<80x125xi32, #tpu.memory_space<vmem>> -> memref<1x125xi32, #tpu.memory_space<vmem>>
      %dma_wait3A_68 = tpu.memref_squeeze %dma_wait3A_67 : memref<1x125xi32, #tpu.memory_space<vmem>> -> memref<125xi32, #tpu.memory_space<vmem>>
      %dma_wait3A_69 = arith.constant 0 : i32
      %dma_wait3A_70 = arith.constant 0 : i32
      %dma_wait3A_71 = tpu.memref_slice %arg2[%dma_wait3A_69, %dma_wait3A_70] : memref<10240x128xf32, #tpu.memory_space<hbm>> -> memref<10240x128xf32, #tpu.memory_space<hbm>>
      tpu.wait_indirect_dma semaphore(%arg10 : memref<!tpu.dma_semaphore, #tpu.memory_space<semaphore_mem>>) src(%dma_wait3A_71 : memref<10240x128xf32, #tpu.memory_space<hbm>>) dst(%dma_wait3A_65 : memref<125x128xf32, #tpu.memory_space<vmem>>)
      %add3A_72 = arith.constant 40 : i32
      %add3A_73 = arith.addi %add3A_72, %mul3A_47 : i32
      %run_scoped3A = arith.constant 0 : i32
      "tpu.region"() ({
        %run_scoped3A_96 = tpu.sem_alloc : memref<!tpu.dma_semaphore, #tpu.memory_space<semaphore_mem>>
        %dma_start3A_97 = arith.constant 0 : i32
        %dma_start3A_98 = arith.constant 0 : i32
        %dma_start3A_99 = tpu.memref_slice %arg8[%run_scoped3A, %dma_start3A_97, %dma_start3A_98] : memref<2x125x128xf32, #tpu.memory_space<vmem>> -> memref<1x125x128xf32, #tpu.memory_space<vmem>>
        %dma_start3A_100 = tpu.memref_squeeze %dma_start3A_99 : memref<1x125x128xf32, #tpu.memory_space<vmem>> -> memref<125x128xf32, #tpu.memory_space<vmem>>
        %dma_start3A_101 = arith.constant 0 : i32
        %dma_start3A_102 = tpu.memref_slice %arg7[%add3A_73, %dma_start3A_101] : memref<80x125xi32, #tpu.memory_space<vmem>> -> memref<1x125xi32, #tpu.memory_space<vmem>>
        %dma_start3A_103 = tpu.memref_squeeze %dma_start3A_102 : memref<1x125xi32, #tpu.memory_space<vmem>> -> memref<125xi32, #tpu.memory_space<vmem>>
        %dma_start3A_104 = arith.constant 0 : i32
        %dma_start3A_105 = arith.constant 0 : i32
        %dma_start3A_106 = tpu.memref_slice %arg9[%dma_start3A_104, %dma_start3A_105] : memref<10240x128xf32, #tpu.memory_space<vmem_shared>> -> memref<10240x128xf32, #tpu.memory_space<vmem_shared>>
        tpu.enqueue_indirect_dma source(%dma_start3A_100 : memref<125x128xf32, #tpu.memory_space<vmem>>) target(%dma_start3A_106 : memref<10240x128xf32, #tpu.memory_space<vmem_shared>>) offsets(%dma_start3A_103 : memref<125xi32, #tpu.memory_space<vmem>>) semaphore(%run_scoped3A_96 : memref<!tpu.dma_semaphore, #tpu.memory_space<semaphore_mem>>) {add = true}
        %dma_wait3A_107 = arith.constant 0 : i32
        %dma_wait3A_108 = arith.constant 0 : i32
        %dma_wait3A_109 = tpu.memref_slice %arg8[%run_scoped3A, %dma_wait3A_107, %dma_wait3A_108] : memref<2x125x128xf32, #tpu.memory_space<vmem>> -> memref<1x125x128xf32, #tpu.memory_space<vmem>>
        %dma_wait3A_110 = tpu.memref_squeeze %dma_wait3A_109 : memref<1x125x128xf32, #tpu.memory_space<vmem>> -> memref<125x128xf32, #tpu.memory_space<vmem>>
        %dma_wait3A_111 = arith.constant 0 : i32
        %dma_wait3A_112 = tpu.memref_slice %arg7[%add3A_73, %dma_wait3A_111] : memref<80x125xi32, #tpu.memory_space<vmem>> -> memref<1x125xi32, #tpu.memory_space<vmem>>
        %dma_wait3A_113 = tpu.memref_squeeze %dma_wait3A_112 : memref<1x125xi32, #tpu.memory_space<vmem>> -> memref<125xi32, #tpu.memory_space<vmem>>
        %dma_wait3A_114 = arith.constant 0 : i32
        %dma_wait3A_115 = arith.constant 0 : i32
        %dma_wait3A_116 = tpu.memref_slice %arg9[%dma_wait3A_114, %dma_wait3A_115] : memref<10240x128xf32, #tpu.memory_space<vmem_shared>> -> memref<10240x128xf32, #tpu.memory_space<vmem_shared>>
        tpu.wait_indirect_dma semaphore(%run_scoped3A_96 : memref<!tpu.dma_semaphore, #tpu.memory_space<semaphore_mem>>) src(%dma_wait3A_110 : memref<125x128xf32, #tpu.memory_space<vmem>>) dst(%dma_wait3A_116 : memref<10240x128xf32, #tpu.memory_space<vmem_shared>>)
        tpu.yield
      }) : () -> ()
      %add3A_74 = arith.constant 1 : i32
      %add3A_75 = arith.addi %scan3A_45, %add3A_74 : i32
      %lt3A = arith.constant 20 : i32
      %lt3A_76 = arith.cmpi slt, %add3A_75, %lt3A : i32
      %convert_element_type3A = arith.extui %lt3A_76 : i1 to i32
      %cond3A = arith.constant 0 : i32
      %cond3A_77 = arith.cmpi ne, %convert_element_type3A, %cond3A : i32
      scf.if %cond3A_77 {
        %add3A_96 = arith.constant 2 : i32
        %add3A_97 = arith.addi %mul3A_47, %add3A_96 : i32
        %dma_start3A_98 = arith.constant 0 : i32
        %dma_start3A_99 = arith.constant 0 : i32
        %dma_start3A_100 = arith.constant 0 : i32
        %dma_start3A_101 = tpu.memref_slice %arg8[%dma_start3A_98, %dma_start3A_99, %dma_start3A_100] : memref<2x125x128xf32, #tpu.memory_space<vmem>> -> memref<1x125x128xf32, #tpu.memory_space<vmem>>
        %dma_start3A_102 = tpu.memref_squeeze %dma_start3A_101 : memref<1x125x128xf32, #tpu.memory_space<vmem>> -> memref<125x128xf32, #tpu.memory_space<vmem>>
        %dma_start3A_103 = arith.constant 0 : i32
        %dma_start3A_104 = tpu.memref_slice %arg7[%add3A_97, %dma_start3A_103] : memref<80x125xi32, #tpu.memory_space<vmem>> -> memref<1x125xi32, #tpu.memory_space<vmem>>
        %dma_start3A_105 = tpu.memref_squeeze %dma_start3A_104 : memref<1x125xi32, #tpu.memory_space<vmem>> -> memref<125xi32, #tpu.memory_space<vmem>>
        %dma_start3A_106 = arith.constant 0 : i32
        %dma_start3A_107 = arith.constant 0 : i32
        %dma_start3A_108 = tpu.memref_slice %arg2[%dma_start3A_106, %dma_start3A_107] : memref<10240x128xf32, #tpu.memory_space<hbm>> -> memref<10240x128xf32, #tpu.memory_space<hbm>>
        tpu.enqueue_indirect_dma source(%dma_start3A_108 : memref<10240x128xf32, #tpu.memory_space<hbm>>) target(%dma_start3A_102 : memref<125x128xf32, #tpu.memory_space<vmem>>) offsets(%dma_start3A_105 : memref<125xi32, #tpu.memory_space<vmem>>) semaphore(%arg10 : memref<!tpu.dma_semaphore, #tpu.memory_space<semaphore_mem>>)
      } else {
      }
      %add3A_78 = arith.constant 1 : i32
      %add3A_79 = arith.addi %mul3A_47, %add3A_78 : i32
      %dma_wait3A_80 = arith.constant 1 : i32
      %dma_wait3A_81 = arith.constant 0 : i32
      %dma_wait3A_82 = arith.constant 0 : i32
      %dma_wait3A_83 = tpu.memref_slice %arg8[%dma_wait3A_80, %dma_wait3A_81, %dma_wait3A_82] : memref<2x125x128xf32, #tpu.memory_space<vmem>> -> memref<1x125x128xf32, #tpu.memory_space<vmem>>
      %dma_wait3A_84 = tpu.memref_squeeze %dma_wait3A_83 : memref<1x125x128xf32, #tpu.memory_space<vmem>> -> memref<125x128xf32, #tpu.memory_space<vmem>>
      %dma_wait3A_85 = arith.constant 0 : i32
      %dma_wait3A_86 = tpu.memref_slice %arg7[%add3A_79, %dma_wait3A_85] : memref<80x125xi32, #tpu.memory_space<vmem>> -> memref<1x125xi32, #tpu.memory_space<vmem>>
      %dma_wait3A_87 = tpu.memref_squeeze %dma_wait3A_86 : memref<1x125xi32, #tpu.memory_space<vmem>> -> memref<125xi32, #tpu.memory_space<vmem>>
      %dma_wait3A_88 = arith.constant 0 : i32
      %dma_wait3A_89 = arith.constant 0 : i32
      %dma_wait3A_90 = tpu.memref_slice %arg2[%dma_wait3A_88, %dma_wait3A_89] : memref<10240x128xf32, #tpu.memory_space<hbm>> -> memref<10240x128xf32, #tpu.memory_space<hbm>>
      tpu.wait_indirect_dma semaphore(%arg11 : memref<!tpu.dma_semaphore, #tpu.memory_space<semaphore_mem>>) src(%dma_wait3A_90 : memref<10240x128xf32, #tpu.memory_space<hbm>>) dst(%dma_wait3A_84 : memref<125x128xf32, #tpu.memory_space<vmem>>)
      %add3A_91 = arith.constant 40 : i32
      %add3A_92 = arith.addi %add3A_91, %mul3A_47 : i32
      %add3A_93 = arith.constant 1 : i32
      %add3A_94 = arith.addi %add3A_92, %add3A_93 : i32
      %run_scoped3A_95 = arith.constant 1 : i32
      "tpu.region"() ({
        %run_scoped3A_96 = tpu.sem_alloc : memref<!tpu.dma_semaphore, #tpu.memory_space<semaphore_mem>>
        %dma_start3A_97 = arith.constant 0 : i32
        %dma_start3A_98 = arith.constant 0 : i32
        %dma_start3A_99 = tpu.memref_slice %arg8[%run_scoped3A_95, %dma_start3A_97, %dma_start3A_98] : memref<2x125x128xf32, #tpu.memory_space<vmem>> -> memref<1x125x128xf32, #tpu.memory_space<vmem>>
        %dma_start3A_100 = tpu.memref_squeeze %dma_start3A_99 : memref<1x125x128xf32, #tpu.memory_space<vmem>> -> memref<125x128xf32, #tpu.memory_space<vmem>>
        %dma_start3A_101 = arith.constant 0 : i32
        %dma_start3A_102 = tpu.memref_slice %arg7[%add3A_94, %dma_start3A_101] : memref<80x125xi32, #tpu.memory_space<vmem>> -> memref<1x125xi32, #tpu.memory_space<vmem>>
        %dma_start3A_103 = tpu.memref_squeeze %dma_start3A_102 : memref<1x125xi32, #tpu.memory_space<vmem>> -> memref<125xi32, #tpu.memory_space<vmem>>
        %dma_start3A_104 = arith.constant 0 : i32
        %dma_start3A_105 = arith.constant 0 : i32
        %dma_start3A_106 = tpu.memref_slice %arg9[%dma_start3A_104, %dma_start3A_105] : memref<10240x128xf32, #tpu.memory_space<vmem_shared>> -> memref<10240x128xf32, #tpu.memory_space<vmem_shared>>
        tpu.enqueue_indirect_dma source(%dma_start3A_100 : memref<125x128xf32, #tpu.memory_space<vmem>>) target(%dma_start3A_106 : memref<10240x128xf32, #tpu.memory_space<vmem_shared>>) offsets(%dma_start3A_103 : memref<125xi32, #tpu.memory_space<vmem>>) semaphore(%run_scoped3A_96 : memref<!tpu.dma_semaphore, #tpu.memory_space<semaphore_mem>>) {add = true}
        %dma_wait3A_107 = arith.constant 0 : i32
        %dma_wait3A_108 = arith.constant 0 : i32
        %dma_wait3A_109 = tpu.memref_slice %arg8[%run_scoped3A_95, %dma_wait3A_107, %dma_wait3A_108] : memref<2x125x128xf32, #tpu.memory_space<vmem>> -> memref<1x125x128xf32, #tpu.memory_space<vmem>>
        %dma_wait3A_110 = tpu.memref_squeeze %dma_wait3A_109 : memref<1x125x128xf32, #tpu.memory_space<vmem>> -> memref<125x128xf32, #tpu.memory_space<vmem>>
        %dma_wait3A_111 = arith.constant 0 : i32
        %dma_wait3A_112 = tpu.memref_slice %arg7[%add3A_94, %dma_wait3A_111] : memref<80x125xi32, #tpu.memory_space<vmem>> -> memref<1x125xi32, #tpu.memory_space<vmem>>
        %dma_wait3A_113 = tpu.memref_squeeze %dma_wait3A_112 : memref<1x125xi32, #tpu.memory_space<vmem>> -> memref<125xi32, #tpu.memory_space<vmem>>
        %dma_wait3A_114 = arith.constant 0 : i32
        %dma_wait3A_115 = arith.constant 0 : i32
        %dma_wait3A_116 = tpu.memref_slice %arg9[%dma_wait3A_114, %dma_wait3A_115] : memref<10240x128xf32, #tpu.memory_space<vmem_shared>> -> memref<10240x128xf32, #tpu.memory_space<vmem_shared>>
        tpu.wait_indirect_dma semaphore(%run_scoped3A_96 : memref<!tpu.dma_semaphore, #tpu.memory_space<semaphore_mem>>) src(%dma_wait3A_110 : memref<125x128xf32, #tpu.memory_space<vmem>>) dst(%dma_wait3A_116 : memref<10240x128xf32, #tpu.memory_space<vmem_shared>>)
        tpu.yield
      }) : () -> ()
    }
    %scan3A_39 = arith.constant 20 : i32
    %barrier3A_40 = arith.constant 0 : index
    tpu.barrier barrier_id(%barrier3A_40)
    %mul3A_41 = arith.constant 640 : i32
    %mul3A_42 = arith.muli %arg1, %mul3A_41 : i32
    %mul3A_43 = arith.constant 640 : i32
    %mul3A_44 = arith.muli %arg1, %mul3A_43 : i32
    "tpu.region"() ({
      %run_scoped3A = tpu.sem_alloc : memref<!tpu.dma_semaphore, #tpu.memory_space<semaphore_mem>>
      %dma_start3A_45 = arith.constant 0 : i32
      %dma_start3A_46 = tpu.memref_slice %arg6[%arg0, %mul3A_44, %dma_start3A_45] : memref<2x10240x128xf32, #tpu.memory_space<hbm>> -> memref<1x640x128xf32, #tpu.memory_space<hbm>>
      %dma_start3A_47 = tpu.memref_squeeze %dma_start3A_46 : memref<1x640x128xf32, #tpu.memory_space<hbm>> -> memref<640x128xf32, #tpu.memory_space<hbm>>
      %dma_start3A_48 = arith.constant 0 : i32
      %dma_start3A_49 = tpu.memref_slice %arg9[%mul3A_42, %dma_start3A_48] : memref<10240x128xf32, #tpu.memory_space<vmem_shared>> -> memref<640x128xf32, #tpu.memory_space<vmem_shared>>
      tpu.enqueue_dma source(%dma_start3A_49 : memref<640x128xf32, #tpu.memory_space<vmem_shared>>) target(%dma_start3A_47 : memref<640x128xf32, #tpu.memory_space<hbm>>) target_semaphore(%run_scoped3A : memref<!tpu.dma_semaphore, #tpu.memory_space<semaphore_mem>>)
      %dma_wait3A_50 = arith.constant 0 : i32
      %dma_wait3A_51 = tpu.memref_slice %arg6[%arg0, %mul3A_44, %dma_wait3A_50] : memref<2x10240x128xf32, #tpu.memory_space<hbm>> -> memref<1x640x128xf32, #tpu.memory_space<hbm>>
      %dma_wait3A_52 = tpu.memref_squeeze %dma_wait3A_51 : memref<1x640x128xf32, #tpu.memory_space<hbm>> -> memref<640x128xf32, #tpu.memory_space<hbm>>
      %dma_wait3A_53 = arith.constant 0 : i32
      %dma_wait3A_54 = tpu.memref_slice %arg9[%mul3A_42, %dma_wait3A_53] : memref<10240x128xf32, #tpu.memory_space<vmem_shared>> -> memref<640x128xf32, #tpu.memory_space<vmem_shared>>
      tpu.wait_dma2 semaphore(%run_scoped3A : memref<!tpu.dma_semaphore, #tpu.memory_space<semaphore_mem>>) src(%dma_wait3A_54 : memref<640x128xf32, #tpu.memory_space<vmem_shared>>) dst(%dma_wait3A_52 : memref<640x128xf32, #tpu.memory_space<hbm>>)
      tpu.yield
    }) : () -> ()
    return
  }
}

module attributes {stable_mosaic.version = 14 : i64} {
  func.func @_mm1_body(%arg0: i32, %arg1: memref<2x1024x128xf32, #tpu.memory_space<vmem>>, %arg2: memref<1024x128xf32, #tpu.memory_space<vmem>>, %arg3: memref<128x128xf32, #tpu.memory_space<vmem>>, %arg4: memref<1024x128xf32, #tpu.memory_space<vmem>>, %arg5: memref<1024x1xf32, #tpu.memory_space<vmem>>) attributes {dimension_semantics = [#tpu.dimension_semantics<arbitrary>], iteration_bounds = array<i64: 10>, scalar_prefetch = 0 : i64, scratch_operands = 0 : i64, tpu.core_type = #tpu.core_type<tc>, window_params = [{transform_indices = @transform_0, window_bounds = array<i64: 2, 1024, 128>}, {transform_indices = @transform_1, window_bounds = array<i64: 1024, 128>}, {pipeline_mode = #tpu.pipeline_mode<synchronous>, transform_indices = @transform_2, window_bounds = array<i64: 128, 128>}, {transform_indices = @transform_3, window_bounds = array<i64: 1024, 128>}, {transform_indices = @transform_4, window_bounds = array<i64: 1024, 1>}]} {
    %get3A = arith.constant 0 : index
    %get3A_0 = arith.constant 0 : index
    %get3A_1 = arith.constant 0 : index
    %get3A_2 = vector.load %arg1[%get3A, %get3A_0, %get3A_1] : memref<2x1024x128xf32, #tpu.memory_space<vmem>>, vector<2x1024x128xf32>
    %slice3A = vector.extract_strided_slice %get3A_2 {offsets = [0, 0, 0], sizes = [1, 1024, 1], strides = [1, 1, 1]} : vector<2x1024x128xf32> to vector<1x1024x1xf32>
    %squeeze3A = vector.shape_cast %slice3A : vector<1x1024x1xf32> to vector<1024x1xf32>
    %add3A = arith.constant 1.000000e+00 : f32
    %add3A_3 = vector.broadcast %add3A : f32 to vector<1024x1xf32>
    %add3A_4 = arith.addf %add3A_3, %squeeze3A : vector<1024x1xf32>
    %slice3A_5 = vector.extract_strided_slice %get3A_2 {offsets = [1, 0, 0], sizes = [1, 1024, 1], strides = [1, 1, 1]} : vector<2x1024x128xf32> to vector<1x1024x1xf32>
    %squeeze3A_6 = vector.shape_cast %slice3A_5 : vector<1x1024x1xf32> to vector<1024x1xf32>
    %add3A_7 = arith.addf %add3A_4, %squeeze3A_6 : vector<1024x1xf32>
    %rsqrt3A = math.rsqrt %add3A_7 : vector<1024x1xf32>
    %get3A_8 = arith.constant 0 : index
    %get3A_9 = arith.constant 0 : index
    %get3A_10 = vector.load %arg2[%get3A_8, %get3A_9] : memref<1024x128xf32, #tpu.memory_space<vmem>>, vector<1024x128xf32>
    %get3A_11 = arith.constant 0 : index
    %get3A_12 = arith.constant 0 : index
    %get3A_13 = vector.load %arg3[%get3A_11, %get3A_12] : memref<128x128xf32, #tpu.memory_space<vmem>>, vector<128x128xf32>
    %dot_general3A = arith.constant dense<0.000000e+00> : vector<1024x128xf32>
    %dot_general3A_14 = tpu.matmul %get3A_10, %get3A_13, %dot_general3A {dimension_numbers = #tpu.dot_dimension_numbers<[1], [0], [0], [1], [0, 0, 1, 1], [], []>, transpose_lhs_hint = false} : vector<1024x128xf32>, vector<128x128xf32>, vector<1024x128xf32> -> vector<1024x128xf32>
    %mul3A = vector.broadcast %rsqrt3A : vector<1024x1xf32> to vector<1024x128xf32>
    %mul3A_15 = arith.mulf %mul3A, %dot_general3A_14 : vector<1024x128xf32>
    %swap3A = arith.constant 0 : index
    %swap3A_16 = arith.constant 0 : index
    %swap3A_17 = vector.load %arg4[%swap3A, %swap3A_16] : memref<1024x128xf32, #tpu.memory_space<vmem>>, vector<1024x128xf32>
    tpu.vector_store %arg4[%swap3A, %swap3A_16], %mul3A_15 {strides = array<i32>} : memref<1024x128xf32, #tpu.memory_space<vmem>>, vector<1024x128xf32>,
    %swap3A_18 = arith.constant 0 : index
    %swap3A_19 = arith.constant 0 : index
    %swap3A_20 = vector.load %arg5[%swap3A_18, %swap3A_19] : memref<1024x1xf32, #tpu.memory_space<vmem>>, vector<1024x1xf32>
    tpu.vector_store %arg5[%swap3A_18, %swap3A_19], %rsqrt3A {strides = array<i32>} : memref<1024x1xf32, #tpu.memory_space<vmem>>, vector<1024x1xf32>,
    return
  }
  func.func @transform_0(%arg0: i32) -> (i32, i32, i32) {
    %c0_i32 = arith.constant 0 : i32
    %c0_i32_0 = arith.constant 0 : i32
    %c0_i32_1 = arith.constant 0 : i32
    return %c0_i32, %arg0, %c0_i32_0 : i32, i32, i32
  }
  func.func @transform_1(%arg0: i32) -> (i32, i32) {
    %c0_i32 = arith.constant 0 : i32
    %c0_i32_0 = arith.constant 0 : i32
    return %arg0, %c0_i32 : i32, i32
  }
  func.func @transform_2(%arg0: i32) -> (i32, i32) {
    %c0_i32 = arith.constant 0 : i32
    %c0_i32_0 = arith.constant 0 : i32
    %c0_i32_1 = arith.constant 0 : i32
    return %c0_i32, %c0_i32_0 : i32, i32
  }
  func.func @transform_3(%arg0: i32) -> (i32, i32) {
    %c0_i32 = arith.constant 0 : i32
    %c0_i32_0 = arith.constant 0 : i32
    return %arg0, %c0_i32 : i32, i32
  }
  func.func @transform_4(%arg0: i32) -> (i32, i32) {
    %c0_i32 = arith.constant 0 : i32
    %c0_i32_0 = arith.constant 0 : i32
    return %arg0, %c0_i32 : i32, i32
  }
}

module attributes {stable_mosaic.version = 14 : i64} {
  func.func @_mm2_body(%arg0: i32, %arg1: memref<2x1024x128xf32, #tpu.memory_space<vmem>>, %arg2: memref<1024x128xf32, #tpu.memory_space<vmem>>, %arg3: memref<1024x1xf32, #tpu.memory_space<vmem>>, %arg4: memref<1x128xf32, #tpu.memory_space<vmem>>, %arg5: memref<128x128xf32, #tpu.memory_space<vmem>>, %arg6: memref<1024x128xf32, #tpu.memory_space<vmem>>) attributes {dimension_semantics = [#tpu.dimension_semantics<arbitrary>], iteration_bounds = array<i64: 10>, scalar_prefetch = 0 : i64, scratch_operands = 0 : i64, tpu.core_type = #tpu.core_type<tc>, window_params = [{transform_indices = @transform_0, window_bounds = array<i64: 2, 1024, 128>}, {transform_indices = @transform_1, window_bounds = array<i64: 1024, 128>}, {transform_indices = @transform_2, window_bounds = array<i64: 1024, 1>}, {pipeline_mode = #tpu.pipeline_mode<synchronous>, transform_indices = @transform_3, window_bounds = array<i64: 1, 128>}, {pipeline_mode = #tpu.pipeline_mode<synchronous>, transform_indices = @transform_4, window_bounds = array<i64: 128, 128>}, {transform_indices = @transform_5, window_bounds = array<i64: 1024, 128>}]} {
    %get3A = arith.constant 0 : index
    %get3A_0 = arith.constant 0 : index
    %get3A_1 = arith.constant 0 : index
    %get3A_2 = vector.load %arg1[%get3A, %get3A_0, %get3A_1] : memref<2x1024x128xf32, #tpu.memory_space<vmem>>, vector<2x1024x128xf32>
    %get3A_3 = arith.constant 0 : index
    %get3A_4 = arith.constant 0 : index
    %get3A_5 = vector.load %arg3[%get3A_3, %get3A_4] : memref<1024x1xf32, #tpu.memory_space<vmem>>, vector<1024x1xf32>
    %slice3A = vector.extract_strided_slice %get3A_2 {offsets = [0, 0, 0], sizes = [1, 1024, 128], strides = [1, 1, 1]} : vector<2x1024x128xf32> to vector<1x1024x128xf32>
    %squeeze3A = vector.shape_cast %slice3A : vector<1x1024x128xf32> to vector<1024x128xf32>
    %slice3A_6 = vector.extract_strided_slice %get3A_2 {offsets = [1, 0, 0], sizes = [1, 1024, 128], strides = [1, 1, 1]} : vector<2x1024x128xf32> to vector<1x1024x128xf32>
    %squeeze3A_7 = vector.shape_cast %slice3A_6 : vector<1x1024x128xf32> to vector<1024x128xf32>
    %add3A = arith.addf %squeeze3A, %squeeze3A_7 : vector<1024x128xf32>
    %get3A_8 = arith.constant 0 : index
    %get3A_9 = arith.constant 0 : index
    %get3A_10 = vector.load %arg2[%get3A_8, %get3A_9] : memref<1024x128xf32, #tpu.memory_space<vmem>>, vector<1024x128xf32>
    %add3A_11 = arith.addf %add3A, %get3A_10 : vector<1024x128xf32>
    %mul3A = vector.broadcast %get3A_5 : vector<1024x1xf32> to vector<1024x128xf32>
    %mul3A_12 = arith.mulf %mul3A, %add3A_11 : vector<1024x128xf32>
    %get3A_13 = arith.constant 0 : index
    %get3A_14 = arith.constant 0 : index
    %get3A_15 = vector.load %arg4[%get3A_13, %get3A_14] : memref<1x128xf32, #tpu.memory_space<vmem>>, vector<1x128xf32>
    %add3A_16 = vector.broadcast %get3A_15 : vector<1x128xf32> to vector<1024x128xf32>
    %add3A_17 = arith.addf %mul3A_12, %add3A_16 : vector<1024x128xf32>
    %max3A = arith.constant 0.000000e+00 : f32
    %max3A_18 = vector.broadcast %max3A : f32 to vector<1024x128xf32>
    %max3A_19 = arith.maximumf %add3A_17, %max3A_18 : vector<1024x128xf32>
    %get3A_20 = arith.constant 0 : index
    %get3A_21 = arith.constant 0 : index
    %get3A_22 = vector.load %arg5[%get3A_20, %get3A_21] : memref<128x128xf32, #tpu.memory_space<vmem>>, vector<128x128xf32>
    %dot_general3A = arith.constant dense<0.000000e+00> : vector<1024x128xf32>
    %dot_general3A_23 = tpu.matmul %max3A_19, %get3A_22, %dot_general3A {dimension_numbers = #tpu.dot_dimension_numbers<[1], [0], [0], [1], [0, 0, 1, 1], [], []>, transpose_lhs_hint = false} : vector<1024x128xf32>, vector<128x128xf32>, vector<1024x128xf32> -> vector<1024x128xf32>
    %mul3A_24 = vector.broadcast %get3A_5 : vector<1024x1xf32> to vector<1024x128xf32>
    %mul3A_25 = arith.mulf %mul3A_24, %dot_general3A_23 : vector<1024x128xf32>
    %swap3A = arith.constant 0 : index
    %swap3A_26 = arith.constant 0 : index
    %swap3A_27 = vector.load %arg6[%swap3A, %swap3A_26] : memref<1024x128xf32, #tpu.memory_space<vmem>>, vector<1024x128xf32>
    tpu.vector_store %arg6[%swap3A, %swap3A_26], %mul3A_25 {strides = array<i32>} : memref<1024x128xf32, #tpu.memory_space<vmem>>, vector<1024x128xf32>,
    return
  }
  func.func @transform_0(%arg0: i32) -> (i32, i32, i32) {
    %c0_i32 = arith.constant 0 : i32
    %c0_i32_0 = arith.constant 0 : i32
    %c0_i32_1 = arith.constant 0 : i32
    return %c0_i32, %arg0, %c0_i32_0 : i32, i32, i32
  }
  func.func @transform_1(%arg0: i32) -> (i32, i32) {
    %c0_i32 = arith.constant 0 : i32
    %c0_i32_0 = arith.constant 0 : i32
    return %arg0, %c0_i32 : i32, i32
  }
  func.func @transform_2(%arg0: i32) -> (i32, i32) {
    %c0_i32 = arith.constant 0 : i32
    %c0_i32_0 = arith.constant 0 : i32
    return %arg0, %c0_i32 : i32, i32
  }
  func.func @transform_3(%arg0: i32) -> (i32, i32) {
    %c0_i32 = arith.constant 0 : i32
    %c0_i32_0 = arith.constant 0 : i32
    %c0_i32_1 = arith.constant 0 : i32
    return %c0_i32, %c0_i32_0 : i32, i32
  }
  func.func @transform_4(%arg0: i32) -> (i32, i32) {
    %c0_i32 = arith.constant 0 : i32
    %c0_i32_0 = arith.constant 0 : i32
    %c0_i32_1 = arith.constant 0 : i32
    return %c0_i32, %c0_i32_0 : i32, i32
  }
  func.func @transform_5(%arg0: i32) -> (i32, i32) {
    %c0_i32 = arith.constant 0 : i32
    %c0_i32_0 = arith.constant 0 : i32
    return %arg0, %c0_i32 : i32, i32
  }
}

module attributes {stable_mosaic.version = 14 : i64} {
  func.func @_mm3_body(%arg0: i32, %arg1: memref<2x1024x128xf32, #tpu.memory_space<vmem>>, %arg2: memref<1024x128xf32, #tpu.memory_space<vmem>>, %arg3: memref<1024x1xf32, #tpu.memory_space<vmem>>, %arg4: memref<1x128xf32, #tpu.memory_space<vmem>>, %arg5: memref<128x128xf32, #tpu.memory_space<vmem>>, %arg6: memref<1x128xf32, #tpu.memory_space<vmem>>, %arg7: memref<1024x128xf32, #tpu.memory_space<vmem>>) attributes {dimension_semantics = [#tpu.dimension_semantics<arbitrary>], iteration_bounds = array<i64: 10>, scalar_prefetch = 0 : i64, scratch_operands = 0 : i64, tpu.core_type = #tpu.core_type<tc>, window_params = [{transform_indices = @transform_0, window_bounds = array<i64: 2, 1024, 128>}, {transform_indices = @transform_1, window_bounds = array<i64: 1024, 128>}, {transform_indices = @transform_2, window_bounds = array<i64: 1024, 1>}, {pipeline_mode = #tpu.pipeline_mode<synchronous>, transform_indices = @transform_3, window_bounds = array<i64: 1, 128>}, {pipeline_mode = #tpu.pipeline_mode<synchronous>, transform_indices = @transform_4, window_bounds = array<i64: 128, 128>}, {pipeline_mode = #tpu.pipeline_mode<synchronous>, transform_indices = @transform_5, window_bounds = array<i64: 1, 128>}, {transform_indices = @transform_6, window_bounds = array<i64: 1024, 128>}]} {
    %get3A = arith.constant 0 : index
    %get3A_0 = arith.constant 0 : index
    %get3A_1 = arith.constant 0 : index
    %get3A_2 = vector.load %arg1[%get3A, %get3A_0, %get3A_1] : memref<2x1024x128xf32, #tpu.memory_space<vmem>>, vector<2x1024x128xf32>
    %slice3A = vector.extract_strided_slice %get3A_2 {offsets = [0, 0, 0], sizes = [1, 1024, 128], strides = [1, 1, 1]} : vector<2x1024x128xf32> to vector<1x1024x128xf32>
    %squeeze3A = vector.shape_cast %slice3A : vector<1x1024x128xf32> to vector<1024x128xf32>
    %slice3A_3 = vector.extract_strided_slice %get3A_2 {offsets = [1, 0, 0], sizes = [1, 1024, 128], strides = [1, 1, 1]} : vector<2x1024x128xf32> to vector<1x1024x128xf32>
    %squeeze3A_4 = vector.shape_cast %slice3A_3 : vector<1x1024x128xf32> to vector<1024x128xf32>
    %add3A = arith.addf %squeeze3A, %squeeze3A_4 : vector<1024x128xf32>
    %get3A_5 = arith.constant 0 : index
    %get3A_6 = arith.constant 0 : index
    %get3A_7 = vector.load %arg2[%get3A_5, %get3A_6] : memref<1024x128xf32, #tpu.memory_space<vmem>>, vector<1024x128xf32>
    %add3A_8 = arith.addf %add3A, %get3A_7 : vector<1024x128xf32>
    %get3A_9 = arith.constant 0 : index
    %get3A_10 = arith.constant 0 : index
    %get3A_11 = vector.load %arg3[%get3A_9, %get3A_10] : memref<1024x1xf32, #tpu.memory_space<vmem>>, vector<1024x1xf32>
    %mul3A = vector.broadcast %get3A_11 : vector<1024x1xf32> to vector<1024x128xf32>
    %mul3A_12 = arith.mulf %mul3A, %add3A_8 : vector<1024x128xf32>
    %get3A_13 = arith.constant 0 : index
    %get3A_14 = arith.constant 0 : index
    %get3A_15 = vector.load %arg4[%get3A_13, %get3A_14] : memref<1x128xf32, #tpu.memory_space<vmem>>, vector<1x128xf32>
    %add3A_16 = vector.broadcast %get3A_15 : vector<1x128xf32> to vector<1024x128xf32>
    %add3A_17 = arith.addf %mul3A_12, %add3A_16 : vector<1024x128xf32>
    %get3A_18 = arith.constant 0 : index
    %get3A_19 = arith.constant 0 : index
    %get3A_20 = vector.load %arg5[%get3A_18, %get3A_19] : memref<128x128xf32, #tpu.memory_space<vmem>>, vector<128x128xf32>
    %dot_general3A = arith.constant dense<0.000000e+00> : vector<1024x128xf32>
    %dot_general3A_21 = tpu.matmul %add3A_17, %get3A_20, %dot_general3A {dimension_numbers = #tpu.dot_dimension_numbers<[1], [0], [0], [1], [0, 0, 1, 1], [], []>, transpose_lhs_hint = false} : vector<1024x128xf32>, vector<128x128xf32>, vector<1024x128xf32> -> vector<1024x128xf32>
    %get3A_22 = arith.constant 0 : index
    %get3A_23 = arith.constant 0 : index
    %get3A_24 = vector.load %arg6[%get3A_22, %get3A_23] : memref<1x128xf32, #tpu.memory_space<vmem>>, vector<1x128xf32>
    %add3A_25 = vector.broadcast %get3A_24 : vector<1x128xf32> to vector<1024x128xf32>
    %add3A_26 = arith.addf %dot_general3A_21, %add3A_25 : vector<1024x128xf32>
    %swap3A = arith.constant 0 : index
    %swap3A_27 = arith.constant 0 : index
    %swap3A_28 = vector.load %arg7[%swap3A, %swap3A_27] : memref<1024x128xf32, #tpu.memory_space<vmem>>, vector<1024x128xf32>
    tpu.vector_store %arg7[%swap3A, %swap3A_27], %add3A_26 {strides = array<i32>} : memref<1024x128xf32, #tpu.memory_space<vmem>>, vector<1024x128xf32>,
    return
  }
  func.func @transform_0(%arg0: i32) -> (i32, i32, i32) {
    %c0_i32 = arith.constant 0 : i32
    %c0_i32_0 = arith.constant 0 : i32
    %c0_i32_1 = arith.constant 0 : i32
    return %c0_i32, %arg0, %c0_i32_0 : i32, i32, i32
  }
  func.func @transform_1(%arg0: i32) -> (i32, i32) {
    %c0_i32 = arith.constant 0 : i32
    %c0_i32_0 = arith.constant 0 : i32
    return %arg0, %c0_i32 : i32, i32
  }
  func.func @transform_2(%arg0: i32) -> (i32, i32) {
    %c0_i32 = arith.constant 0 : i32
    %c0_i32_0 = arith.constant 0 : i32
    return %arg0, %c0_i32 : i32, i32
  }
  func.func @transform_3(%arg0: i32) -> (i32, i32) {
    %c0_i32 = arith.constant 0 : i32
    %c0_i32_0 = arith.constant 0 : i32
    %c0_i32_1 = arith.constant 0 : i32
    return %c0_i32, %c0_i32_0 : i32, i32
  }
  func.func @transform_4(%arg0: i32) -> (i32, i32) {
    %c0_i32 = arith.constant 0 : i32
    %c0_i32_0 = arith.constant 0 : i32
    %c0_i32_1 = arith.constant 0 : i32
    return %c0_i32, %c0_i32_0 : i32, i32
  }
  func.func @transform_5(%arg0: i32) -> (i32, i32) {
    %c0_i32 = arith.constant 0 : i32
    %c0_i32_0 = arith.constant 0 : i32
    %c0_i32_1 = arith.constant 0 : i32
    return %c0_i32, %c0_i32_0 : i32, i32
  }
  func.func @transform_6(%arg0: i32) -> (i32, i32) {
    %c0_i32 = arith.constant 0 : i32
    %c0_i32_0 = arith.constant 0 : i32
    return %arg0, %c0_i32 : i32, i32
  }
}

</mosaic_0001>

<sc_bundles>
// kernel: kernel.11.cloned.1.call-start
scs
__scs_entry_jumppad:
0x0: {  	(pc) =	sbr.rel $0x88, $3  }
0x1: {  	(tag) =	ssettag $0x0;
	lr =	simm.s32 $0x1  }
0x2: {  	[smem:$0x3F99] =	sst lr;
	_ =	strace $0xD0000000  }
0x3: {  	_ = 	snop  }
0x4: {  	_ = 	snop  }
0x5: {  	_ = 	snop  }
0x6: {  	_ = 	snop  }
0x7: {  	_ = 	snop  }
__scs_overlays_trampoline_lowered:
0x8: {  	[smem:$0x3FA8] =	sst s0  }
0x9: {  	[smem:$0x3FA9] =	sst s1  }
0xa: {  	[smem:$0x3FAA] =	sst s2  }
0xb: {  	[smem:$0x3FAB] =	sst s3  }
0xc: {  	[smem:$0x3FAC] =	sst s4  }
0xd: {  	[smem:$0x3FAD] =	sst s5  }
0xe: {  	[smem:$0x3FAE] =	sst s6  }
0xf: {  	[smem:$0x3FAF] =	sst s7  }
0x10: {  	[smem:$0x3FB0] =	sst s8  }
0x11: {  	[smem:$0x3FB1] =	sst s9;
	s0 =	simm.s32 @!p0 $0x0  }
0x12: {  	s1 =	sld [smem:$0x3F97];
	s0 =	simm.s32 @p0 $0x1  }
0x13: {  	[smem:$0x3FB2] =	sst s0;
	s0 =	simm.s32 @!p1 $0x0  }
0x14: {  	s2 =	sld [smem:$0x3F96];
	s0 =	simm.s32 @p1 $0x1  }
0x15: {  	[smem:$0x3FB3] =	sst s0;
	s0 =	simm.s32 @!p2 $0x0  }
0x16: {  	s3 =	sld [smem:$0x3FDB];
	s0 =	simm.s32 @p2 $0x1  }
0x17: {  	s4 =	simm.s32 $0x1BF5;
	[smem:$0x3FB5] =	sst s0  }
0x18: {  	s0 =	sld [smem:$0x3F98];
	_ =	swait.ge [sflag:s4], $0x0  }
0x19: {  	s7 =	sld [smem:$0x3F99]  }
0x1a: {  	s8 =	sadd.s32 $0xFFFFE003, lr  }
0x1b: {  	s9 =	sadd.s32 $0xFFFFFEF7, lr;
	s5 =	simm.s32 $0xFFFFFFFF;
	p2 =	slt.u32 s8, $0xFFFFF086  }
0x1c: {  	p1 =	slt.u32 s9, $0xF7A;
	s5 =	simm.s32 @!p2 $0x0  }
0x1d: {  	s5 =	simm.s32 @p1 $0x1;
	p0 =	seq.s32 s7, s2  }
0x1e: {  	s7 =	smul.u32 @!p0 $0xF7A, s2;
	p2 =	seq.s32 @!p0 s5, $0x0  }
0x1f: {  	s9 =	smul.u32 $0xF7A, s1;
	s8 =	simm.s32 @!p0 $0x1BF5;
	p2 =	por !p2, p0  }
0x20: {  	[sflag:s8] =	ssyncset.s32 @!p0 $0xFFFFF086;
	s6 =	sadd.s32 @!p0 s3, s7;
	s7 =	simm.s32 @!p0 $0x108  }
0x21: {  	s3 =	sadd.s32 s3, s9;
	s6 =	sadd.s32 @!p0 $0x88, s6;
	s7 =	simm.s32 @p2 $0x1082  }
0x22: {  	[simem:s7], [sflag:s8] =	dma.local @!p0 [hbm:s6], $0xF7A  }
0x23: {  	s9 =	sor.u32 $0xD0000000, s2;
	s6 =	simm.s32 $0x108;
	_ =	swait.ge @!p0 [sflag:s8], $0x0  }
0x24: {  	s3 =	sadd.s32 $0x88, s3;
	s6 =	simm.s32 @!p1 $0x1082;
	[sflag:s4] =	ssyncset.s32 $0xFFFFF086  }
0x25: {  	[simem:s6], [sflag:s4] =	dma.local [hbm:s3], $0xF7A  }
0x26: {  	[smem:$0x3F99] =	sst s1;
	(tag) =	ssettag s2;
	_ =	strace s9  }
0x27: {  	s1 =	sld [smem:$0x3FA9]  }
0x28: {  	s2 =	sld [smem:$0x3FAA]  }
0x29: {  	s4 =	sld [smem:$0x3FAC]  }
0x2a: {  	p0 =	seq.s32 s5, $0x0;
	s5 =	sld [smem:$0x3FAD]  }
0x2b: {  	s6 =	sld [smem:$0x3FAE]  }
0x2c: {  	s7 =	sld [smem:$0x3FAF]  }
0x2d: {  	s3 =	simm.s32 $0x108;
	s8 =	sld [smem:$0x3FB0]  }
0x2e: {  	s3 =	simm.s32 @!p0 $0x1082;
	s9 =	sld [smem:$0x3FB1]  }
0x2f: {  	lr =	sadd.s32 s0, s3;
	s0 =	sld [smem:$0x3FA8]  }
0x30: {  	s3 =	sld [smem:$0x3FAB]  }
0x31: {  	[smem:$0x3FB4] =	sst s10  }
0x32: {  	s10 =	sld [smem:$0x3FB2];
	_ =	sdelay $0x3  }
0x33: {  	p0 =	seq.s32 s10, $0x1;
	s10 =	sld [smem:$0x3FB4];
	_ =	sdelay $0x3  }
0x34: {  	[smem:$0x3FB4] =	sst s10  }
0x35: {  	s10 =	sld [smem:$0x3FB3];
	_ =	sdelay $0x3  }
0x36: {  	p1 =	seq.s32 s10, $0x1;
	s10 =	sld [smem:$0x3FB4];
	_ =	sdelay $0x3  }
0x37: {  	[smem:$0x3FB4] =	sst s10  }
0x38: {  	s10 =	sld [smem:$0x3FB5]  }
0x39: {  	_ = 	snop;
	(pc) =	sbr.ind lr, $3  }
0x3a: {  	_ = 	snop  }
0x3b: {  	_ = 	snop  }
0x3c: {  	p2 =	seq.s32 s10, $0x1;
	s10 =	sld [smem:$0x3FB4]  }
0x3d: {  	_ =	shalt  }
0x3e: {  	_ =	shalt  }
0x3f: {  	_ =	shalt  }
0x40: {  	_ =	shalt  }
0x41: {  	_ =	shalt  }
0x42: {  	_ =	shalt  }
0x43: {  	_ =	shalt  }
0x44: {  	_ =	shalt  }
0x45: {  	_ =	shalt  }
0x46: {  	_ =	shalt  }
0x47: {  	_ =	shalt  }
0x48: {  	_ =	shalt  }
0x49: {  	_ =	shalt  }
0x4a: {  	_ =	shalt  }
0x4b: {  	_ =	shalt  }
0x4c: {  	_ =	shalt  }
0x4d: {  	_ =	shalt  }
0x4e: {  	_ =	shalt  }
0x4f: {  	_ =	shalt  }
0x50: {  	_ =	shalt  }
0x51: {  	_ =	shalt  }
0x52: {  	_ =	shalt  }
0x53: {  	_ =	shalt  }
0x54: {  	_ =	shalt  }
0x55: {  	_ =	shalt  }
0x56: {  	_ =	shalt  }
0x57: {  	_ =	shalt  }
0x58: {  	_ =	shalt  }
0x59: {  	_ =	shalt  }
0x5a: {  	_ =	shalt  }
0x5b: {  	_ =	shalt  }
0x5c: {  	_ =	shalt  }
0x5d: {  	_ =	shalt  }
0x5e: {  	_ =	shalt  }
0x5f: {  	_ =	shalt  }
0x60: {  	_ =	shalt  }
0x61: {  	_ =	shalt  }
0x62: {  	_ =	shalt  }
0x63: {  	_ =	shalt  }
0x64: {  	_ =	shalt  }
0x65: {  	_ =	shalt  }
0x66: {  	_ =	shalt  }
0x67: {  	_ =	shalt  }
0x68: {  	_ =	shalt  }
0x69: {  	_ =	shalt  }
0x6a: {  	_ =	shalt  }
0x6b: {  	_ =	shalt  }
0x6c: {  	_ =	shalt  }
0x6d: {  	_ =	shalt  }
0x6e: {  	_ =	shalt  }
0x6f: {  	_ =	shalt  }
0x70: {  	_ =	shalt  }
0x71: {  	_ =	shalt  }
0x72: {  	_ =	shalt  }
0x73: {  	_ =	shalt  }
0x74: {  	_ =	shalt  }
0x75: {  	_ =	shalt  }
0x76: {  	_ =	shalt  }
0x77: {  	_ =	shalt  }
0x78: {  	_ =	shalt  }
0x79: {  	_ =	shalt  }
0x7a: {  	_ =	shalt  }
0x7b: {  	_ =	shalt  }
0x7c: {  	_ =	shalt  }
0x7d: {  	_ =	shalt  }
0x7e: {  	_ =	shalt  }
0x7f: {  	_ =	shalt  }
0x80: {  	_ =	shalt  }
0x81: {  	_ =	shalt  }
0x82: {  	_ =	shalt  }
0x83: {  	_ =	shalt  }
0x84: {  	_ =	shalt  }
0x85: {  	_ =	shalt  }
0x86: {  	_ =	shalt  }
0x87: {  	_ =	shalt  }
.Lfunc_end0:
.L_simem_size_0:
called_computation.1_lowered:
.L_overlay_start_0:
0x88: {  	s2 =	sld [smem:$0x3FD9]  }
0x89: {  	s3 =	sld [smem:$0x3FFE];
	_ =	sdelay $0x1  }
0x8a: {  	s1 =	srdreg.scid  }
0x8b: {  	s0 =	sand.u32 $0x1, s1  }
0x8c: {  	s17 =	sshll.u32 s0, $0xA;
	s2 =	sadd.s32 s3, s2  }
0x8d: {  	s2 =	sadd.s32 s2, s17  }
0x8e: {  	[smem:$0x3FC0] =	sst s2  }
0x8f: {  	_ = 	snop  }
0x90: {  	s2 =	sld [smem:$0x3FD0];
	(tm) =	ssettm $0x1  }
0x91: {  	s18 =	sld [smem:$0x3FFB];
	_ =	sdelay $0x3  }
0x92: {  	_ =	strace s18  }
0x93: {  	s3 =	sld [smem:$0x3FFC];
	_ =	sdelay $0x3  }
0x94: {  	_ =	strace s3  }
0x95: {  	s3 =	sld [smem:$0x3FFD];
	_ =	sdelay $0x3  }
0x96: {  	_ =	strace s3  }
0x97: {  	_ =	strace $0x8FFFFFFF  }
0x98: {  	s19 =	sld [smem:$0x3FDB];
	_ =	sdelay $0x1  }
0x99: {  	s4 =	simm.s32 $_scs_section_size  }
0x9a: {  	s5 =	simm.s32 $_size__tile_overlayer_lowered;
	s6 =	simm.s32 $_tile_overlayer_lowered  }
0x9b: {  	s22 =	simm.s32 $0x1BFF;
	s21 =	sshll.u32 s6, $0x1;
	s3 =	sadd.s32 s4, s19  }
0x9c: {  	s7 =	simm.s32 $0x0;
	s20 =	sshll.u32 s5, $0x1;
	s5 =	sadd.s32 s21, s3  }
0x9d: {  	[timem:s7], [sflag:s22] =	dma.local [hbm:s5], s20  }
0x9e: {  	_ =	swait.ge [sflag:s22], s20  }
0x9f: {  	s4 =	ssub.s32 $0x0, s20;
	[sflag:s22] =	ssyncset.done $0x0  }
0xa0: {  	[sflag:s22] =	ssyncadd.s32 s4;
	_ =	sdelay $0x1  }
0xa1: {  	s23 =	simm.s32 $0x1B8B  }
0xa2: {  	_ =	swait.ge [sflag:s23], $0x1  }
0xa3: {  	[sflag:s23] =	ssyncset.done $0x0  }
0xa4: {  	s25 =	simm.s32 $0x1B8E;
	s24 =	sld [smem:$0x3FFE];
	[sflag:s23] =	ssyncadd.s32 $0xFFFFFFFF  }
0xa5: {  	s26 =	simm.s32 $execute0_lowered;
	[smem:$0x3FD2] =	sst s25  }
0xa6: {  	s5 =	sshll.u32 s26, $0x1;
	_ =	strace $0x80000049;
	[dreg:$0x1] =	wrdreg $0xFFFFFFFF  }
0xa7: {  	s28 =	simm.s32 $_size_execute0_lowered;
	s3 =	sadd.s32 s3, s5;
	[dreg:$0x0] =	wrdreg $0x0  }
0xa8: {  	s5 =	sshll.u32 s28, $0x1;
	[dreg:$0x2] =	wrdreg s3  }
0xa9: {  	[dreg:$0x3] =	wrdreg s5  }
0xaa: {  	[dreg:$0x4] =	wrdreg $0xC0  }
0xab: {  	_ =	task [dreg:s7], $0x5FFFF  }
0xac: {  	[dreg:$0x1] =	wrdreg $0xFFFFFFFF  }
0xad: {  	[dreg:$0x0] =	wrdreg $0x60  }
0xae: {  	[dreg:$0x2] =	wrdreg s24  }
0xaf: {  	[dreg:$0x3] =	wrdreg s2  }
0xb0: {  	[dreg:$0x4] =	wrdreg $0xA8000  }
0xb1: {  	[dreg:$0x5] =	wrdreg $0x9  }
0xb2: {  	_ =	task.clear_ibuf [dreg:s7], $0x6FFFF;
	_ =	strace $0x90000049  }
0xb3: {  	s29 =	simm.s32 $0x9;
	_ =	strace $0x8000004B  }
0xb4: {  	_ =	swait.ge [sflag:s29], $0x1  }
0xb5: {  	[sflag:s29] =	ssyncadd.s32 $0xFFFFFFFF  }
0xb6: {  	_ =	strace $0x9000004B  }
0xb7: {  	_ =	sfence  }
0xb8: {  	s30 =	sld [smem:$0x0];
	_ =	sdelay $0x2  }
0xb9: {  	s31 =	sshll.u32 s1, $0xD;
	s1 =	sshrl.u32 s1, $0x2  }
0xba: {  	s3 =	sand.u32 $0x4000, s31;
	s1 =	sadd.s32 s1, s30  }
0xbb: {  	s0 =	sor.u32 s3, s0;
	s1 =	sshll.u32 s1, $0x11  }
0xbc: {  	s0 =	sor.u32 s1, s0  }
0xbd: {  	s0 =	sadd.s32 $0x8F2B, s0  }
0xbe: {  	[sflag:s0] =	ssyncadd.remote.s32 $0x1  }
0xbf: {  	_ =	sfence.sel $0xFFFF  }
0xc0: {  	[dreg:$0x0] =	wrdreg $0xFFFFFFFF;
	(pc) =	sbr.abs _section_cstart, $3  }
0xc1: {  	[dreg:$0x1] =	wrdreg $0xFFFFFFFF  }
0xc2: {  	_ =	task.clear_ibuf [dreg:s7], $0x2FFFF;
	_ =	strace $0x9FFFFFFF  }
0xc3: {  	(tm) =	ssettm $0x7FFFFFFF  }
tec
execute0_lowered:
.L_overlay_start_1:
0x0: {  	(tag) =	ssettag $0x1  }
0x1: {  	s6 =	rddreg [dreg:$0x0]  }
0x2: {  	s11 =	rddreg [dreg:$0x1]  }
0x3: {  	s1 =	rddreg [dreg:$0x2];
	s2 =	srdreg.scid  }
0x4: {  	s3 =	simm.s32 $0x0;
	s16 =	simm.s32 $0x1400;
	s17 =	simm.s32 $0x7D  }
0x5: {  	s18 =	simm.s32 $0x2800;
	s19 =	simm.s32 $0x3;
	s20 =	simm.s32 $0x6800  }
0x6: {  	s21 =	simm.s32 $0x1;
	s22 =	simm.s32 $0x2;
	s23 =	simm.s32 $0x1380  }
0x7: {  	s24 =	simm.s32 $0x2700;
	s25 =	simm.s32 $0x2780;
	s26 =	simm.s32 $0x0  }
0x8: {  	s7 =	sand.u32 $0x1, s2;
	s2 =	stileid.u32;
	[smem:$0x7FF] =	sst s3  }
0x9: {  	s4 =	sadd.s32 $0x4A00, s6;
	s10 =	sadd.s32 $0x55200, s6;
	s8 =	smul.u32 $0x140000, s7  }
0xa: {  	s5 =	sadd.s32 $0x2200, s6;
	s9 =	smul.u32 $0x14000, s2;
	_ =	strace $0x8000004A  }
0xb: {  	s29 =	sshll.u32 s7, $0x4;
	s7 =	ssub.s32 $0x2, s7;
	s12 =	smul.u32 $0x50000, s2  }
0xc: {  	s13 =	sshrl.u32 s7, $0x1;
	s8 =	sadd.s32 s9, s8;
	s9 =	sor.u32 s2, s29  }
0xd: {  	s13 =	ssub.s32 s7, s13;
	s30 =	sshrl.u32 s12, $0x2;
	s9 =	smul.u32 $0x2800, s9  }
0xe: {  	s8 =	sshrl.u32 s8, $0x3;
	s15 =	sadd.s32 s30, s1;
	s13 =	smax.u32 s13, $0x1  }
0xf: {  	s14 =	sadd.s32 s8, s6;
	s6 =	sshll.u32 s2, $0x6;
	s9 =	sshrl.u32 s9, $0x3  }
0x10: {  	s7 =	sor.u32 $0x1C03, s6;
	s12 =	sadd.s32 $0x5F200, s14;
	s14 =	sshrl.u32 s15, $0x3  }
0x11: {  	s15 =	simm.s32 $0x4;
	s8 =	sadd.s32 s10, s9;
	s31 =	sadd.s32 $0x280, s9  }
0x12: {  	s9 =	sadd.s32 s11, s9;
	s10 =	sadd.s32 s10, s31;
	s11 =	sadd.s32 s11, s31  }
.LBB2_1:
0x13: {  	[spmem:s14], [sflag:s7] =	dma.local [hbm:s5], $0x2800  }
0x14: {  	[tilespmem:s3], [sflag:$0x4] =	stream.linear.gather [hbm4b:s8+s3], $0x1400, $0x38;
	[tilespmem:$0x1E800] =	vst v63  }
0x15: {  	_ =	swait.ge [sflag:s15], $0x1400  }
0x16: {  	[sflag:s15] =	ssyncset.done $0x0  }
0x17: {  	[sflag:s15] =	ssyncadd.s32 $0xFFFFEC00  }
0x18: {  	[tilespmem:s16], [sflag:$0x4] =	stream.linear.gather [hbm4b:s9+s3], $0x1400, $0x38;
	[tilespmem:$0x1E800] =	vst v63  }
0x19: {  	_ =	swait.ge [sflag:s15], $0x1400  }
0x1a: {  	[sflag:s15] =	ssyncset.done $0x0  }
0x1b: {  	[sflag:s15] =	ssyncadd.s32 $0xFFFFEC00  }
0x1c: {  	[tilespmem:s18], [sflag:$0x1] =	stream.indirect.gather [hbm4b:s4+s17], $0x80, s3, s17, $0xb8;
	[tilespmem:$0x1E800] =	vst v63  }
0x1d: {  	_ =	swait.ge [sflag:s19], $0x2800  }
0x1e: {  	[sflag:s19] =	ssyncset.done $0x0  }
0x1f: {  	[sflag:s19] =	ssyncadd.s32 $0xFFFFD800  }
0x20: {  	s28 =	simm.s32 $0x80;
	[bflag:$0x0] =	sbarrier.arrive $0xFFFF  }
0x21: {  	[tilespmem:s20], [sflag:$0x2] =	stream.indirect.gather [hbm4b:s4+s17], $0x80, s28, s17, $0xb8;
	[tilespmem:$0x1E800] =	vst v63  }
0x22: {  	_ =	swait.ge [sflag:s21], $0x3E80  }
0x23: {  	[sflag:s21] =	ssyncset.done $0x0  }
0x24: {  	s28 =	simm.s32 $0x1400;
	[sflag:s21] =	ssyncadd.s32 $0xFFFFC180  }
0x25: {  	[spmem:s1] =	stream.indirect.scatter.add.f32 [tilespmem:s18], [sflag:$0x4], $0x80, s28, s17, $0xb8;
	[tilespmem:$0x1E800] =	vst v63  }
0x26: {  	_ =	swait.ge [sflag:s15], $0x3E80  }
0x27: {  	[sflag:s15] =	ssyncset.done $0x0  }
0x28: {  	s28 =	simm.s32 $0x100;
	[sflag:s15] =	ssyncadd.s32 $0xFFFFC180  }
0x29: {  	[tilespmem:s18], [sflag:$0x1] =	stream.indirect.gather [hbm4b:s4+s17], $0x80, s28, s17, $0xb8;
	[tilespmem:$0x1E800] =	vst v63  }
0x2a: {  	_ =	swait.ge [sflag:s22], $0x3E80  }
0x2b: {  	[sflag:s22] =	ssyncset.done $0x0  }
0x2c: {  	s28 =	simm.s32 $0x1480;
	[sflag:s22] =	ssyncadd.s32 $0xFFFFC180  }
0x2d: {  	[spmem:s1] =	stream.indirect.scatter.add.f32 [tilespmem:s20], [sflag:$0x4], $0x80, s28, s17, $0xb8;
	[tilespmem:$0x1E800] =	vst v63  }
0x2e: {  	_ =	swait.ge [sflag:s15], $0x3E80  }
0x2f: {  	s29 =	simm.s32 $0xC00;
	s28 =	simm.s32 $0x200;
	[sflag:s15] =	ssyncset.done $0x0  }
.LBB2_2:
0x30: {  	s30 =	sadd.s32 $0xFFFFFF80, s28  }
0x31: {  	[sflag:s15] =	ssyncadd.s32 $0xFFFFC180;
	s31 =	smov.u32 s29;
	s0 =	sadd.s32 $0x400, s29  }
0x32: {  	[tilespmem:s20], [sflag:$0x2] =	stream.indirect.gather [hbm4b:s4+s17], $0x80, s30, s17, $0xb8;
	[tilespmem:$0x1E800] =	vst v63  }
0x33: {  	p0 =	sne.s32 s29, $0x4C00;
	_ =	swait.ge [sflag:s21], $0x3E80  }
0x34: {  	[sflag:s21] =	ssyncset.done $0x0  }
0x35: {  	s29 =	sadd.s32 $0x1300, s28;
	[sflag:s21] =	ssyncadd.s32 $0xFFFFC180  }
0x36: {  	[spmem:s1] =	stream.indirect.scatter.add.f32 [tilespmem:s18], [sflag:$0x4], $0x80, s29, s17, $0xb8;
	[tilespmem:$0x1E800] =	vst v63  }
0x37: {  	_ =	swait.ge [sflag:s15], $0x3E80  }
0x38: {  	[sflag:s15] =	ssyncset.done $0x0  }
0x39: {  	[sflag:s15] =	ssyncadd.s32 $0xFFFFC180  }
0x3a: {  	[tilespmem:s18], [sflag:$0x1] =	stream.indirect.gather [hbm4b:s4+s17], $0x80, s28, s17, $0xb8;
	[tilespmem:$0x1E800] =	vst v63  }
0x3b: {  	_ =	swait.ge [sflag:s22], $0x3E80  }
.Ltmp0:
0x3c: {  	[sflag:s22] =	ssyncset.done $0x0;
	(pc) =	sbr.rel @p0 .LBB2_2-.Ltmp0, $4  }
0x3d: {  	s28 =	sadd.s32 $0x1380, s28;
	[sflag:s22] =	ssyncadd.s32 $0xFFFFC180  }
0x3e: {  	[spmem:s1] =	stream.indirect.scatter.add.f32 [tilespmem:s20], [sflag:$0x4], $0x80, s28, s17, $0xb8;
	[tilespmem:$0x1E800] =	vst v63  }
0x3f: {  	_ =	swait.ge [sflag:s15], $0x3E80  }
0x40: {  	s29 =	smov.u32 s0;
	s28 =	sshra.s32 s31, $0x2;
	[sflag:s15] =	ssyncset.done $0x0  }
0x41: {  	s0 =	sadd.s32 $0xFFFFFF80, s28;
	[sflag:s15] =	ssyncadd.s32 $0xFFFFC180  }
0x42: {  	[tilespmem:s20], [sflag:$0x2] =	stream.indirect.gather [hbm4b:s4+s17], $0x80, s0, s17, $0xb8;
	[tilespmem:$0x1E800] =	vst v63  }
0x43: {  	_ =	swait.ge [sflag:s21], $0x3E80  }
0x44: {  	[sflag:s21] =	ssyncset.done $0x0  }
0x45: {  	s30 =	sadd.s32 $0x1300, s28;
	[sflag:s21] =	ssyncadd.s32 $0xFFFFC180  }
0x46: {  	[spmem:s1] =	stream.indirect.scatter.add.f32 [tilespmem:s18], [sflag:$0x4], $0x80, s30, s17, $0xb8;
	[tilespmem:$0x1E800] =	vst v63  }
0x47: {  	_ =	swait.ge [sflag:s15], $0x3E80  }
0x48: {  	[sflag:s15] =	ssyncset.done $0x0  }
0x49: {  	[sflag:s15] =	ssyncadd.s32 $0xFFFFC180  }
0x4a: {  	[tilespmem:s18], [sflag:$0x1] =	stream.indirect.gather [hbm4b:s4+s17], $0x80, s28, s17, $0xb8;
	[tilespmem:$0x1E800] =	vst v63  }
0x4b: {  	_ =	swait.ge [sflag:s22], $0x3E80  }
0x4c: {  	[sflag:s22] =	ssyncset.done $0x0  }
0x4d: {  	s31 =	sadd.s32 $0x1380, s28;
	[sflag:s22] =	ssyncadd.s32 $0xFFFFC180  }
0x4e: {  	[spmem:s1] =	stream.indirect.scatter.add.f32 [tilespmem:s20], [sflag:$0x4], $0x80, s31, s17, $0xb8;
	[tilespmem:$0x1E800] =	vst v63  }
0x4f: {  	_ =	swait.ge [sflag:s15], $0x3E80  }
0x50: {  	[sflag:s15] =	ssyncset.done $0x0  }
0x51: {  	[sflag:s15] =	ssyncadd.s32 $0xFFFFC180  }
0x52: {  	[tilespmem:s20], [sflag:$0x2] =	stream.indirect.gather [hbm4b:s4+s17], $0x80, s23, s17, $0xb8;
	[tilespmem:$0x1E800] =	vst v63  }
0x53: {  	_ =	swait.ge [sflag:s21], $0x3E80  }
0x54: {  	[sflag:s21] =	ssyncset.done $0x0  }
0x55: {  	[sflag:s21] =	ssyncadd.s32 $0xFFFFC180  }
0x56: {  	[spmem:s1] =	stream.indirect.scatter.add.f32 [tilespmem:s18], [sflag:$0x4], $0x80, s24, s17, $0xb8;
	[tilespmem:$0x1E800] =	vst v63  }
0x57: {  	_ =	swait.ge [sflag:s15], $0x3E80  }
0x58: {  	[sflag:s15] =	ssyncset.done $0x0  }
0x59: {  	[sflag:s15] =	ssyncadd.s32 $0xFFFFC180  }
0x5a: {  	_ =	swait.ge [sflag:s22], $0x3E80  }
0x5b: {  	[sflag:s22] =	ssyncset.done $0x0  }
0x5c: {  	[sflag:s22] =	ssyncadd.s32 $0xFFFFC180  }
0x5d: {  	[spmem:s1] =	stream.indirect.scatter.add.f32 [tilespmem:s20], [sflag:$0x4], $0x80, s25, s17, $0xb8;
	[tilespmem:$0x1E800] =	vst v63  }
0x5e: {  	_ =	swait.ge [sflag:s15], $0x3E80  }
0x5f: {  	[sflag:s15] =	ssyncset.done $0x0  }
0x60: {  	[sflag:s15] =	ssyncadd.s32 $0xFFFFC180  }
0x61: {  	[tilespmem:s3], [sflag:$0x4] =	stream.linear.gather [hbm4b:s10+s3], $0x1400, $0x38;
	[tilespmem:$0x1E800] =	vst v63  }
0x62: {  	_ =	swait.ge [sflag:s15], $0x1400  }
0x63: {  	[sflag:s15] =	ssyncset.done $0x0  }
0x64: {  	[sflag:s15] =	ssyncadd.s32 $0xFFFFEC00  }
0x65: {  	[tilespmem:s16], [sflag:$0x4] =	stream.linear.gather [hbm4b:s11+s3], $0x1400, $0x38;
	[tilespmem:$0x1E800] =	vst v63  }
0x66: {  	_ =	swait.ge [sflag:s15], $0x1400  }
0x67: {  	[sflag:s15] =	ssyncset.done $0x0  }
0x68: {  	[sflag:s15] =	ssyncadd.s32 $0xFFFFEC00  }
0x69: {  	[tilespmem:s18], [sflag:$0x1] =	stream.indirect.gather [hbm4b:s4+s17], $0x80, s3, s17, $0xb8;
	[tilespmem:$0x1E800] =	vst v63  }
0x6a: {  	s30 =	simm.s32 $0x80  }
0x6b: {  	[tilespmem:s20], [sflag:$0x2] =	stream.indirect.gather [hbm4b:s4+s17], $0x80, s30, s17, $0xb8;
	[tilespmem:$0x1E800] =	vst v63  }
0x6c: {  	_ =	swait.ge [sflag:s21], $0x3E80  }
0x6d: {  	[sflag:s21] =	ssyncset.done $0x0  }
0x6e: {  	s31 =	simm.s32 $0x1400;
	[sflag:s21] =	ssyncadd.s32 $0xFFFFC180  }
0x6f: {  	[spmem:s1] =	stream.indirect.scatter.add.f32 [tilespmem:s18], [sflag:$0x4], $0x80, s31, s17, $0xb8;
	[tilespmem:$0x1E800] =	vst v63  }
0x70: {  	_ =	swait.ge [sflag:s15], $0x3E80  }
0x71: {  	[sflag:s15] =	ssyncset.done $0x0  }
0x72: {  	s30 =	simm.s32 $0x100;
	[sflag:s15] =	ssyncadd.s32 $0xFFFFC180  }
0x73: {  	[tilespmem:s18], [sflag:$0x1] =	stream.indirect.gather [hbm4b:s4+s17], $0x80, s30, s17, $0xb8;
	[tilespmem:$0x1E800] =	vst v63  }
0x74: {  	_ =	swait.ge [sflag:s22], $0x3E80  }
0x75: {  	[sflag:s22] =	ssyncset.done $0x0  }
0x76: {  	s31 =	simm.s32 $0x1480;
	[sflag:s22] =	ssyncadd.s32 $0xFFFFC180  }
0x77: {  	[spmem:s1] =	stream.indirect.scatter.add.f32 [tilespmem:s20], [sflag:$0x4], $0x80, s31, s17, $0xb8;
	[tilespmem:$0x1E800] =	vst v63  }
0x78: {  	_ =	swait.ge [sflag:s15], $0x3E80  }
0x79: {  	s29 =	simm.s32 $0xC00;
	s28 =	simm.s32 $0x200;
	[sflag:s15] =	ssyncset.done $0x0  }
.LBB2_4:
0x7a: {  	s0 =	sadd.s32 $0xFFFFFF80, s28  }
0x7b: {  	[sflag:s15] =	ssyncadd.s32 $0xFFFFC180;
	s30 =	smov.u32 s29;
	s31 =	sadd.s32 $0x400, s29  }
0x7c: {  	[tilespmem:s20], [sflag:$0x2] =	stream.indirect.gather [hbm4b:s4+s17], $0x80, s0, s17, $0xb8;
	[tilespmem:$0x1E800] =	vst v63  }
0x7d: {  	p0 =	sne.s32 s29, $0x4C00;
	_ =	swait.ge [sflag:s21], $0x3E80  }
0x7e: {  	[sflag:s21] =	ssyncset.done $0x0  }
0x7f: {  	s0 =	sadd.s32 $0x1300, s28;
	[sflag:s21] =	ssyncadd.s32 $0xFFFFC180  }
0x80: {  	[spmem:s1] =	stream.indirect.scatter.add.f32 [tilespmem:s18], [sflag:$0x4], $0x80, s0, s17, $0xb8;
	[tilespmem:$0x1E800] =	vst v63  }
0x81: {  	_ =	swait.ge [sflag:s15], $0x3E80  }
0x82: {  	[sflag:s15] =	ssyncset.done $0x0  }
0x83: {  	[sflag:s15] =	ssyncadd.s32 $0xFFFFC180  }
0x84: {  	[tilespmem:s18], [sflag:$0x1] =	stream.indirect.gather [hbm4b:s4+s17], $0x80, s28, s17, $0xb8;
	[tilespmem:$0x1E800] =	vst v63  }
0x85: {  	_ =	swait.ge [sflag:s22], $0x3E80  }
.Ltmp1:
0x86: {  	[sflag:s22] =	ssyncset.done $0x0;
	(pc) =	sbr.rel @p0 .LBB2_4-.Ltmp1, $4  }
0x87: {  	s0 =	sadd.s32 $0x1380, s28;
	[sflag:s22] =	ssyncadd.s32 $0xFFFFC180  }
0x88: {  	[spmem:s1] =	stream.indirect.scatter.add.f32 [tilespmem:s20], [sflag:$0x4], $0x80, s0, s17, $0xb8;
	[tilespmem:$0x1E800] =	vst v63  }
0x89: {  	_ =	swait.ge [sflag:s15], $0x3E80  }
0x8a: {  	s29 =	smov.u32 s31;
	s28 =	sshra.s32 s30, $0x2;
	[sflag:s15] =	ssyncset.done $0x0  }
0x8b: {  	s0 =	sadd.s32 $0xFFFFFF80, s28;
	[sflag:s15] =	ssyncadd.s32 $0xFFFFC180  }
0x8c: {  	[tilespmem:s20], [sflag:$0x2] =	stream.indirect.gather [hbm4b:s4+s17], $0x80, s0, s17, $0xb8;
	[tilespmem:$0x1E800] =	vst v63  }
0x8d: {  	_ =	swait.ge [sflag:s21], $0x3E80  }
0x8e: {  	[sflag:s21] =	ssyncset.done $0x0  }
0x8f: {  	s29 =	sadd.s32 $0x1300, s28;
	[sflag:s21] =	ssyncadd.s32 $0xFFFFC180  }
0x90: {  	[spmem:s1] =	stream.indirect.scatter.add.f32 [tilespmem:s18], [sflag:$0x4], $0x80, s29, s17, $0xb8;
	[tilespmem:$0x1E800] =	vst v63  }
0x91: {  	_ =	swait.ge [sflag:s15], $0x3E80  }
0x92: {  	[sflag:s15] =	ssyncset.done $0x0  }
0x93: {  	[sflag:s15] =	ssyncadd.s32 $0xFFFFC180  }
0x94: {  	[tilespmem:s18], [sflag:$0x1] =	stream.indirect.gather [hbm4b:s4+s17], $0x80, s28, s17, $0xb8;
	[tilespmem:$0x1E800] =	vst v63  }
0x95: {  	_ =	swait.ge [sflag:s22], $0x3E80  }
0x96: {  	[sflag:s22] =	ssyncset.done $0x0  }
0x97: {  	s30 =	sadd.s32 $0x1380, s28;
	[sflag:s22] =	ssyncadd.s32 $0xFFFFC180  }
0x98: {  	[spmem:s1] =	stream.indirect.scatter.add.f32 [tilespmem:s20], [sflag:$0x4], $0x80, s30, s17, $0xb8;
	[tilespmem:$0x1E800] =	vst v63  }
0x99: {  	_ =	swait.ge [sflag:s15], $0x3E80  }
0x9a: {  	[sflag:s15] =	ssyncset.done $0x0  }
0x9b: {  	[sflag:s15] =	ssyncadd.s32 $0xFFFFC180  }
0x9c: {  	[tilespmem:s20], [sflag:$0x2] =	stream.indirect.gather [hbm4b:s4+s17], $0x80, s23, s17, $0xb8;
	[tilespmem:$0x1E800] =	vst v63  }
0x9d: {  	_ =	swait.ge [sflag:s21], $0x3E80  }
0x9e: {  	[sflag:s21] =	ssyncset.done $0x0  }
0x9f: {  	[sflag:s21] =	ssyncadd.s32 $0xFFFFC180  }
0xa0: {  	[spmem:s1] =	stream.indirect.scatter.add.f32 [tilespmem:s18], [sflag:$0x4], $0x80, s24, s17, $0xb8;
	[tilespmem:$0x1E800] =	vst v63  }
0xa1: {  	_ =	swait.ge [sflag:s15], $0x3E80  }
0xa2: {  	[sflag:s15] =	ssyncset.done $0x0  }
0xa3: {  	[sflag:s15] =	ssyncadd.s32 $0xFFFFC180  }
0xa4: {  	_ =	swait.ge [sflag:s22], $0x3E80  }
0xa5: {  	[sflag:s22] =	ssyncset.done $0x0  }
0xa6: {  	[sflag:s22] =	ssyncadd.s32 $0xFFFFC180  }
0xa7: {  	[spmem:s1] =	stream.indirect.scatter.add.f32 [tilespmem:s20], [sflag:$0x4], $0x80, s25, s17, $0xb8;
	[tilespmem:$0x1E800] =	vst v63  }
0xa8: {  	_ =	swait.ge [sflag:s15], $0x3E80  }
0xa9: {  	s26 =	sadd.s32 $0x1, s26;
	[sflag:s15] =	ssyncset.done $0x0  }
0xaa: {  	p0 =	sne.s32 s26, s13;
	[sflag:s15] =	ssyncadd.s32 $0xFFFFC180  }
.Ltmp2:
0xab: {  	s31 =	sor.u32 $0x1C04, s6;
	[bflag:$0x0] =	sbarrier.arrive $0xFFFF;
	(pc) =	sbr.rel @p0 .LBB2_1-.Ltmp2, $4  }
0xac: {  	[hbm:s12], [sflag:s31] =	dma.local [spmem:s14], $0x2800  }
0xad: {  	_ =	swait.ge [sflag:s15], $0x2800  }
0xae: {  	[sflag:s15] =	ssyncset.done $0x0  }
0xaf: {  	[sflag:s15] =	ssyncadd.s32 $0xFFFFD800  }
0xb0: {  	_ =	sfence.sel $0x180000  }
0xb1: {  	[bflag:$0x0] =	sbarrier.arrive $0xFFFF  }
0xb2: {  	_ =	strace $0x9000004A  }
0xb3: {  	[bflag:$0x2] =	sbarrier.arrive $0xFFFF  }
0xb4: {  	p0 =	sne.s32 s2, $0x0;
	s0 =	rddreg [dreg:$0x3]  }
0xb5: {  	s0 =	sadd.s32 @!p0 $0x100000, s0  }
0xb6: {  	[sflag:s0] =	ssyncadd.tile.s32 @!p0 $0x1;
	_ =	shalt  }
.Lfunc_end2:
_tile_overlayer_lowered:
.L_overlay_start_2:
0xb7: {  	(tag) =	ssettag $0x2  }
0xb8: {  	s0 =	rddreg [dreg:$0x0];
	s2 =	stileid.u32  }
0xb9: {  	s1 =	rddreg [dreg:$0x1];
	p0 =	sne.s32 s2, $0x0  }
0xba: {  	s3 =	rddreg [dreg:$0x2];
	[bflag:$0x3] =	sbarrier.arrive $0xFFFF;
	s2 =	simm.s32 @!p0 $0x1C04  }
0xbb: {  	[timem:s3], [sflag:s2] =	dma.local @!p0 [hbm:s0], s1  }
0xbc: {  	s0 =	simm.s32 @!p0 $0x4  }
0xbd: {  	_ =	swait.ge @!p0 [sflag:s0], s1  }
0xbe: {  	s1 =	ssub.s32 @!p0 $0x0, s1;
	[sflag:s0] =	ssyncset.done @!p0 $0x0  }
0xbf: {  	[sflag:s0] =	ssyncadd.s32 @!p0 s1  }
0xc0: {  	[bflag:$0x3] =	sbarrier.arrive $0xFFFF  }
0xc1: {  	_ =	shalt  }

// kernel: kernel.14.cloned.1.call-start
scs
__scs_entry_jumppad:
0x0: {  	(pc) =	sbr.rel $0x88, $3  }
0x1: {  	(tag) =	ssettag $0x0;
	lr =	simm.s32 $0x1  }
0x2: {  	[smem:$0x3F99] =	sst lr;
	_ =	strace $0xD0000000  }
0x3: {  	_ = 	snop  }
0x4: {  	_ = 	snop  }
0x5: {  	_ = 	snop  }
0x6: {  	_ = 	snop  }
0x7: {  	_ = 	snop  }
__scs_overlays_trampoline_lowered:
0x8: {  	[smem:$0x3FA8] =	sst s0  }
0x9: {  	[smem:$0x3FA9] =	sst s1  }
0xa: {  	[smem:$0x3FAA] =	sst s2  }
0xb: {  	[smem:$0x3FAB] =	sst s3  }
0xc: {  	[smem:$0x3FAC] =	sst s4  }
0xd: {  	[smem:$0x3FAD] =	sst s5  }
0xe: {  	[smem:$0x3FAE] =	sst s6  }
0xf: {  	[smem:$0x3FAF] =	sst s7  }
0x10: {  	[smem:$0x3FB0] =	sst s8  }
0x11: {  	[smem:$0x3FB1] =	sst s9;
	s0 =	simm.s32 @!p0 $0x0  }
0x12: {  	s1 =	sld [smem:$0x3F97];
	s0 =	simm.s32 @p0 $0x1  }
0x13: {  	[smem:$0x3FB2] =	sst s0;
	s0 =	simm.s32 @!p1 $0x0  }
0x14: {  	s2 =	sld [smem:$0x3F96];
	s0 =	simm.s32 @p1 $0x1  }
0x15: {  	[smem:$0x3FB3] =	sst s0;
	s0 =	simm.s32 @!p2 $0x0  }
0x16: {  	s3 =	sld [smem:$0x3FDB];
	s0 =	simm.s32 @p2 $0x1  }
0x17: {  	s4 =	simm.s32 $0x1BF5;
	[smem:$0x3FB5] =	sst s0  }
0x18: {  	s0 =	sld [smem:$0x3F98];
	_ =	swait.ge [sflag:s4], $0x0  }
0x19: {  	s7 =	sld [smem:$0x3F99]  }
0x1a: {  	s8 =	sadd.s32 $0xFFFFE003, lr  }
0x1b: {  	s9 =	sadd.s32 $0xFFFFFEF7, lr;
	s5 =	simm.s32 $0xFFFFFFFF;
	p2 =	slt.u32 s8, $0xFFFFF086  }
0x1c: {  	p1 =	slt.u32 s9, $0xF7A;
	s5 =	simm.s32 @!p2 $0x0  }
0x1d: {  	s5 =	simm.s32 @p1 $0x1;
	p0 =	seq.s32 s7, s2  }
0x1e: {  	s7 =	smul.u32 @!p0 $0xF7A, s2;
	p2 =	seq.s32 @!p0 s5, $0x0  }
0x1f: {  	s9 =	smul.u32 $0xF7A, s1;
	s8 =	simm.s32 @!p0 $0x1BF5;
	p2 =	por !p2, p0  }
0x20: {  	[sflag:s8] =	ssyncset.s32 @!p0 $0xFFFFF086;
	s6 =	sadd.s32 @!p0 s3, s7;
	s7 =	simm.s32 @!p0 $0x108  }
0x21: {  	s3 =	sadd.s32 s3, s9;
	s6 =	sadd.s32 @!p0 $0x88, s6;
	s7 =	simm.s32 @p2 $0x1082  }
0x22: {  	[simem:s7], [sflag:s8] =	dma.local @!p0 [hbm:s6], $0xF7A  }
0x23: {  	s9 =	sor.u32 $0xD0000000, s2;
	s6 =	simm.s32 $0x108;
	_ =	swait.ge @!p0 [sflag:s8], $0x0  }
0x24: {  	s3 =	sadd.s32 $0x88, s3;
	s6 =	simm.s32 @!p1 $0x1082;
	[sflag:s4] =	ssyncset.s32 $0xFFFFF086  }
0x25: {  	[simem:s6], [sflag:s4] =	dma.local [hbm:s3], $0xF7A  }
0x26: {  	[smem:$0x3F99] =	sst s1;
	(tag) =	ssettag s2;
	_ =	strace s9  }
0x27: {  	s1 =	sld [smem:$0x3FA9]  }
0x28: {  	s2 =	sld [smem:$0x3FAA]  }
0x29: {  	s4 =	sld [smem:$0x3FAC]  }
0x2a: {  	p0 =	seq.s32 s5, $0x0;
	s5 =	sld [smem:$0x3FAD]  }
0x2b: {  	s6 =	sld [smem:$0x3FAE]  }
0x2c: {  	s7 =	sld [smem:$0x3FAF]  }
0x2d: {  	s3 =	simm.s32 $0x108;
	s8 =	sld [smem:$0x3FB0]  }
0x2e: {  	s3 =	simm.s32 @!p0 $0x1082;
	s9 =	sld [smem:$0x3FB1]  }
0x2f: {  	lr =	sadd.s32 s0, s3;
	s0 =	sld [smem:$0x3FA8]  }
0x30: {  	s3 =	sld [smem:$0x3FAB]  }
0x31: {  	[smem:$0x3FB4] =	sst s10  }
0x32: {  	s10 =	sld [smem:$0x3FB2];
	_ =	sdelay $0x3  }
0x33: {  	p0 =	seq.s32 s10, $0x1;
	s10 =	sld [smem:$0x3FB4];
	_ =	sdelay $0x3  }
0x34: {  	[smem:$0x3FB4] =	sst s10  }
0x35: {  	s10 =	sld [smem:$0x3FB3];
	_ =	sdelay $0x3  }
0x36: {  	p1 =	seq.s32 s10, $0x1;
	s10 =	sld [smem:$0x3FB4];
	_ =	sdelay $0x3  }
0x37: {  	[smem:$0x3FB4] =	sst s10  }
0x38: {  	s10 =	sld [smem:$0x3FB5]  }
0x39: {  	_ = 	snop;
	(pc) =	sbr.ind lr, $3  }
0x3a: {  	_ = 	snop  }
0x3b: {  	_ = 	snop  }
0x3c: {  	p2 =	seq.s32 s10, $0x1;
	s10 =	sld [smem:$0x3FB4]  }
0x3d: {  	_ =	shalt  }
0x3e: {  	_ =	shalt  }
0x3f: {  	_ =	shalt  }
0x40: {  	_ =	shalt  }
0x41: {  	_ =	shalt  }
0x42: {  	_ =	shalt  }
0x43: {  	_ =	shalt  }
0x44: {  	_ =	shalt  }
0x45: {  	_ =	shalt  }
0x46: {  	_ =	shalt  }
0x47: {  	_ =	shalt  }
0x48: {  	_ =	shalt  }
0x49: {  	_ =	shalt  }
0x4a: {  	_ =	shalt  }
0x4b: {  	_ =	shalt  }
0x4c: {  	_ =	shalt  }
0x4d: {  	_ =	shalt  }
0x4e: {  	_ =	shalt  }
0x4f: {  	_ =	shalt  }
0x50: {  	_ =	shalt  }
0x51: {  	_ =	shalt  }
0x52: {  	_ =	shalt  }
0x53: {  	_ =	shalt  }
0x54: {  	_ =	shalt  }
0x55: {  	_ =	shalt  }
0x56: {  	_ =	shalt  }
0x57: {  	_ =	shalt  }
0x58: {  	_ =	shalt  }
0x59: {  	_ =	shalt  }
0x5a: {  	_ =	shalt  }
0x5b: {  	_ =	shalt  }
0x5c: {  	_ =	shalt  }
0x5d: {  	_ =	shalt  }
0x5e: {  	_ =	shalt  }
0x5f: {  	_ =	shalt  }
0x60: {  	_ =	shalt  }
0x61: {  	_ =	shalt  }
0x62: {  	_ =	shalt  }
0x63: {  	_ =	shalt  }
0x64: {  	_ =	shalt  }
0x65: {  	_ =	shalt  }
0x66: {  	_ =	shalt  }
0x67: {  	_ =	shalt  }
0x68: {  	_ =	shalt  }
0x69: {  	_ =	shalt  }
0x6a: {  	_ =	shalt  }
0x6b: {  	_ =	shalt  }
0x6c: {  	_ =	shalt  }
0x6d: {  	_ =	shalt  }
0x6e: {  	_ =	shalt  }
0x6f: {  	_ =	shalt  }
0x70: {  	_ =	shalt  }
0x71: {  	_ =	shalt  }
0x72: {  	_ =	shalt  }
0x73: {  	_ =	shalt  }
0x74: {  	_ =	shalt  }
0x75: {  	_ =	shalt  }
0x76: {  	_ =	shalt  }
0x77: {  	_ =	shalt  }
0x78: {  	_ =	shalt  }
0x79: {  	_ =	shalt  }
0x7a: {  	_ =	shalt  }
0x7b: {  	_ =	shalt  }
0x7c: {  	_ =	shalt  }
0x7d: {  	_ =	shalt  }
0x7e: {  	_ =	shalt  }
0x7f: {  	_ =	shalt  }
0x80: {  	_ =	shalt  }
0x81: {  	_ =	shalt  }
0x82: {  	_ =	shalt  }
0x83: {  	_ =	shalt  }
0x84: {  	_ =	shalt  }
0x85: {  	_ =	shalt  }
0x86: {  	_ =	shalt  }
0x87: {  	_ =	shalt  }
.Lfunc_end0:
.L_simem_size_0:
called_computation.2_lowered:
.L_overlay_start_0:
0x88: {  	s2 =	sld [smem:$0x3FD9]  }
0x89: {  	s3 =	sld [smem:$0x3FFE];
	_ =	sdelay $0x1  }
0x8a: {  	s1 =	srdreg.scid  }
0x8b: {  	s0 =	sand.u32 $0x1, s1  }
0x8c: {  	s17 =	sshll.u32 s0, $0xA;
	s2 =	sadd.s32 s3, s2  }
0x8d: {  	s2 =	sadd.s32 s2, s17  }
0x8e: {  	[smem:$0x3FC0] =	sst s2  }
0x8f: {  	_ = 	snop  }
0x90: {  	s2 =	sld [smem:$0x3FD0];
	(tm) =	ssettm $0x1  }
0x91: {  	s18 =	sld [smem:$0x3FFB];
	_ =	sdelay $0x3  }
0x92: {  	_ =	strace s18  }
0x93: {  	s3 =	sld [smem:$0x3FFC];
	_ =	sdelay $0x3  }
0x94: {  	_ =	strace s3  }
0x95: {  	s3 =	sld [smem:$0x3FFD];
	_ =	sdelay $0x3  }
0x96: {  	_ =	strace s3  }
0x97: {  	_ =	strace $0x8FFFFFFF  }
0x98: {  	s19 =	sld [smem:$0x3FDB];
	_ =	sdelay $0x1  }
0x99: {  	s4 =	simm.s32 $_scs_section_size  }
0x9a: {  	s5 =	simm.s32 $_size__tile_overlayer_lowered;
	s6 =	simm.s32 $_tile_overlayer_lowered  }
0x9b: {  	s22 =	simm.s32 $0x1BFF;
	s21 =	sshll.u32 s6, $0x1;
	s3 =	sadd.s32 s4, s19  }
0x9c: {  	s7 =	simm.s32 $0x0;
	s20 =	sshll.u32 s5, $0x1;
	s5 =	sadd.s32 s21, s3  }
0x9d: {  	[timem:s7], [sflag:s22] =	dma.local [hbm:s5], s20  }
0x9e: {  	_ =	swait.ge [sflag:s22], s20  }
0x9f: {  	s4 =	ssub.s32 $0x0, s20;
	[sflag:s22] =	ssyncset.done $0x0  }
0xa0: {  	[sflag:s22] =	ssyncadd.s32 s4;
	_ =	sdelay $0x1  }
0xa1: {  	s23 =	simm.s32 $0x1B8B  }
0xa2: {  	_ =	swait.ge [sflag:s23], $0x1  }
0xa3: {  	[sflag:s23] =	ssyncset.done $0x0  }
0xa4: {  	s25 =	simm.s32 $0x1B8E;
	s24 =	sld [smem:$0x3FFE];
	[sflag:s23] =	ssyncadd.s32 $0xFFFFFFFF  }
0xa5: {  	s26 =	simm.s32 $execute0_lowered;
	[smem:$0x3FD2] =	sst s25  }
0xa6: {  	s5 =	sshll.u32 s26, $0x1;
	_ =	strace $0x8000004C;
	[dreg:$0x1] =	wrdreg $0xFFFFFFFF  }
0xa7: {  	s28 =	simm.s32 $_size_execute0_lowered;
	s3 =	sadd.s32 s3, s5;
	[dreg:$0x0] =	wrdreg $0x0  }
0xa8: {  	s5 =	sshll.u32 s28, $0x1;
	[dreg:$0x2] =	wrdreg s3  }
0xa9: {  	[dreg:$0x3] =	wrdreg s5  }
0xaa: {  	[dreg:$0x4] =	wrdreg $0xC0  }
0xab: {  	_ =	task [dreg:s7], $0x5FFFF  }
0xac: {  	[dreg:$0x1] =	wrdreg $0xFFFFFFFF  }
0xad: {  	[dreg:$0x0] =	wrdreg $0x60  }
0xae: {  	[dreg:$0x2] =	wrdreg s24  }
0xaf: {  	[dreg:$0x3] =	wrdreg s2  }
0xb0: {  	[dreg:$0x4] =	wrdreg $0xA8000  }
0xb1: {  	[dreg:$0x5] =	wrdreg $0x9  }
0xb2: {  	_ =	task.clear_ibuf [dreg:s7], $0x6FFFF;
	_ =	strace $0x9000004C  }
0xb3: {  	s29 =	simm.s32 $0x9;
	_ =	strace $0x8000004E  }
0xb4: {  	_ =	swait.ge [sflag:s29], $0x1  }
0xb5: {  	[sflag:s29] =	ssyncadd.s32 $0xFFFFFFFF  }
0xb6: {  	_ =	strace $0x9000004E  }
0xb7: {  	_ =	sfence  }
0xb8: {  	s30 =	sld [smem:$0x0];
	_ =	sdelay $0x2  }
0xb9: {  	s31 =	sshll.u32 s1, $0xD;
	s1 =	sshrl.u32 s1, $0x2  }
0xba: {  	s3 =	sand.u32 $0x4000, s31;
	s1 =	sadd.s32 s1, s30  }
0xbb: {  	s0 =	sor.u32 s3, s0;
	s1 =	sshll.u32 s1, $0x11  }
0xbc: {  	s0 =	sor.u32 s1, s0  }
0xbd: {  	s0 =	sadd.s32 $0x8F2B, s0  }
0xbe: {  	[sflag:s0] =	ssyncadd.remote.s32 $0x1  }
0xbf: {  	_ =	sfence.sel $0xFFFF  }
0xc0: {  	[dreg:$0x0] =	wrdreg $0xFFFFFFFF;
	(pc) =	sbr.abs _section_cstart, $3  }
0xc1: {  	[dreg:$0x1] =	wrdreg $0xFFFFFFFF  }
0xc2: {  	_ =	task.clear_ibuf [dreg:s7], $0x2FFFF;
	_ =	strace $0x9FFFFFFF  }
0xc3: {  	(tm) =	ssettm $0x7FFFFFFF  }
tec
execute0_lowered:
.L_overlay_start_1:
0x0: {  	(tag) =	ssettag $0x1  }
0x1: {  	s6 =	rddreg [dreg:$0x0]  }
0x2: {  	s11 =	rddreg [dreg:$0x1]  }
0x3: {  	s1 =	rddreg [dreg:$0x2];
	s2 =	srdreg.scid  }
0x4: {  	s3 =	simm.s32 $0x0;
	s16 =	simm.s32 $0x1400;
	s17 =	simm.s32 $0x7D  }
0x5: {  	s18 =	simm.s32 $0x2800;
	s19 =	simm.s32 $0x3;
	s20 =	simm.s32 $0x6800  }
0x6: {  	s21 =	simm.s32 $0x1;
	s22 =	simm.s32 $0x2;
	s23 =	simm.s32 $0x1380  }
0x7: {  	s24 =	simm.s32 $0x2700;
	s25 =	simm.s32 $0x2780;
	s26 =	simm.s32 $0x0  }
0x8: {  	s7 =	sand.u32 $0x1, s2;
	s2 =	stileid.u32;
	[smem:$0x7FF] =	sst s3  }
0x9: {  	s4 =	sadd.s32 $0x4A00, s6;
	s10 =	sadd.s32 $0x55200, s6;
	s8 =	smul.u32 $0x140000, s7  }
0xa: {  	s5 =	sadd.s32 $0x2200, s6;
	s9 =	smul.u32 $0x14000, s2;
	_ =	strace $0x8000004D  }
0xb: {  	s29 =	sshll.u32 s7, $0x4;
	s7 =	ssub.s32 $0x2, s7;
	s12 =	smul.u32 $0x50000, s2  }
0xc: {  	s13 =	sshrl.u32 s7, $0x1;
	s8 =	sadd.s32 s9, s8;
	s9 =	sor.u32 s2, s29  }
0xd: {  	s13 =	ssub.s32 s7, s13;
	s30 =	sshrl.u32 s12, $0x2;
	s9 =	smul.u32 $0x2800, s9  }
0xe: {  	s8 =	sshrl.u32 s8, $0x3;
	s15 =	sadd.s32 s30, s1;
	s13 =	smax.u32 s13, $0x1  }
0xf: {  	s14 =	sadd.s32 s8, s6;
	s6 =	sshll.u32 s2, $0x6;
	s9 =	sshrl.u32 s9, $0x3  }
0x10: {  	s7 =	sor.u32 $0x1C03, s6;
	s12 =	sadd.s32 $0x5F200, s14;
	s14 =	sshrl.u32 s15, $0x3  }
0x11: {  	s15 =	simm.s32 $0x4;
	s8 =	sadd.s32 s10, s9;
	s31 =	sadd.s32 $0x280, s9  }
0x12: {  	s9 =	sadd.s32 s11, s9;
	s10 =	sadd.s32 s10, s31;
	s11 =	sadd.s32 s11, s31  }
.LBB2_1:
0x13: {  	[spmem:s14], [sflag:s7] =	dma.local [hbm:s5], $0x2800  }
0x14: {  	[tilespmem:s3], [sflag:$0x4] =	stream.linear.gather [hbm4b:s8+s3], $0x1400, $0x38;
	[tilespmem:$0x1E800] =	vst v63  }
0x15: {  	_ =	swait.ge [sflag:s15], $0x1400  }
0x16: {  	[sflag:s15] =	ssyncset.done $0x0  }
0x17: {  	[sflag:s15] =	ssyncadd.s32 $0xFFFFEC00  }
0x18: {  	[tilespmem:s16], [sflag:$0x4] =	stream.linear.gather [hbm4b:s9+s3], $0x1400, $0x38;
	[tilespmem:$0x1E800] =	vst v63  }
0x19: {  	_ =	swait.ge [sflag:s15], $0x1400  }
0x1a: {  	[sflag:s15] =	ssyncset.done $0x0  }
0x1b: {  	[sflag:s15] =	ssyncadd.s32 $0xFFFFEC00  }
0x1c: {  	[tilespmem:s18], [sflag:$0x1] =	stream.indirect.gather [hbm4b:s4+s17], $0x80, s3, s17, $0xb8;
	[tilespmem:$0x1E800] =	vst v63  }
0x1d: {  	_ =	swait.ge [sflag:s19], $0x2800  }
0x1e: {  	[sflag:s19] =	ssyncset.done $0x0  }
0x1f: {  	[sflag:s19] =	ssyncadd.s32 $0xFFFFD800  }
0x20: {  	s28 =	simm.s32 $0x80;
	[bflag:$0x0] =	sbarrier.arrive $0xFFFF  }
0x21: {  	[tilespmem:s20], [sflag:$0x2] =	stream.indirect.gather [hbm4b:s4+s17], $0x80, s28, s17, $0xb8;
	[tilespmem:$0x1E800] =	vst v63  }
0x22: {  	_ =	swait.ge [sflag:s21], $0x3E80  }
0x23: {  	[sflag:s21] =	ssyncset.done $0x0  }
0x24: {  	s28 =	simm.s32 $0x1400;
	[sflag:s21] =	ssyncadd.s32 $0xFFFFC180  }
0x25: {  	[spmem:s1] =	stream.indirect.scatter.add.f32 [tilespmem:s18], [sflag:$0x4], $0x80, s28, s17, $0xb8;
	[tilespmem:$0x1E800] =	vst v63  }
0x26: {  	_ =	swait.ge [sflag:s15], $0x3E80  }
0x27: {  	[sflag:s15] =	ssyncset.done $0x0  }
0x28: {  	s28 =	simm.s32 $0x100;
	[sflag:s15] =	ssyncadd.s32 $0xFFFFC180  }
0x29: {  	[tilespmem:s18], [sflag:$0x1] =	stream.indirect.gather [hbm4b:s4+s17], $0x80, s28, s17, $0xb8;
	[tilespmem:$0x1E800] =	vst v63  }
0x2a: {  	_ =	swait.ge [sflag:s22], $0x3E80  }
0x2b: {  	[sflag:s22] =	ssyncset.done $0x0  }
0x2c: {  	s28 =	simm.s32 $0x1480;
	[sflag:s22] =	ssyncadd.s32 $0xFFFFC180  }
0x2d: {  	[spmem:s1] =	stream.indirect.scatter.add.f32 [tilespmem:s20], [sflag:$0x4], $0x80, s28, s17, $0xb8;
	[tilespmem:$0x1E800] =	vst v63  }
0x2e: {  	_ =	swait.ge [sflag:s15], $0x3E80  }
0x2f: {  	s29 =	simm.s32 $0xC00;
	s28 =	simm.s32 $0x200;
	[sflag:s15] =	ssyncset.done $0x0  }
.LBB2_2:
0x30: {  	s30 =	sadd.s32 $0xFFFFFF80, s28  }
0x31: {  	[sflag:s15] =	ssyncadd.s32 $0xFFFFC180;
	s31 =	smov.u32 s29;
	s0 =	sadd.s32 $0x400, s29  }
0x32: {  	[tilespmem:s20], [sflag:$0x2] =	stream.indirect.gather [hbm4b:s4+s17], $0x80, s30, s17, $0xb8;
	[tilespmem:$0x1E800] =	vst v63  }
0x33: {  	p0 =	sne.s32 s29, $0x4C00;
	_ =	swait.ge [sflag:s21], $0x3E80  }
0x34: {  	[sflag:s21] =	ssyncset.done $0x0  }
0x35: {  	s29 =	sadd.s32 $0x1300, s28;
	[sflag:s21] =	ssyncadd.s32 $0xFFFFC180  }
0x36: {  	[spmem:s1] =	stream.indirect.scatter.add.f32 [tilespmem:s18], [sflag:$0x4], $0x80, s29, s17, $0xb8;
	[tilespmem:$0x1E800] =	vst v63  }
0x37: {  	_ =	swait.ge [sflag:s15], $0x3E80  }
0x38: {  	[sflag:s15] =	ssyncset.done $0x0  }
0x39: {  	[sflag:s15] =	ssyncadd.s32 $0xFFFFC180  }
0x3a: {  	[tilespmem:s18], [sflag:$0x1] =	stream.indirect.gather [hbm4b:s4+s17], $0x80, s28, s17, $0xb8;
	[tilespmem:$0x1E800] =	vst v63  }
0x3b: {  	_ =	swait.ge [sflag:s22], $0x3E80  }
.Ltmp0:
0x3c: {  	[sflag:s22] =	ssyncset.done $0x0;
	(pc) =	sbr.rel @p0 .LBB2_2-.Ltmp0, $4  }
0x3d: {  	s28 =	sadd.s32 $0x1380, s28;
	[sflag:s22] =	ssyncadd.s32 $0xFFFFC180  }
0x3e: {  	[spmem:s1] =	stream.indirect.scatter.add.f32 [tilespmem:s20], [sflag:$0x4], $0x80, s28, s17, $0xb8;
	[tilespmem:$0x1E800] =	vst v63  }
0x3f: {  	_ =	swait.ge [sflag:s15], $0x3E80  }
0x40: {  	s29 =	smov.u32 s0;
	s28 =	sshra.s32 s31, $0x2;
	[sflag:s15] =	ssyncset.done $0x0  }
0x41: {  	s0 =	sadd.s32 $0xFFFFFF80, s28;
	[sflag:s15] =	ssyncadd.s32 $0xFFFFC180  }
0x42: {  	[tilespmem:s20], [sflag:$0x2] =	stream.indirect.gather [hbm4b:s4+s17], $0x80, s0, s17, $0xb8;
	[tilespmem:$0x1E800] =	vst v63  }
0x43: {  	_ =	swait.ge [sflag:s21], $0x3E80  }
0x44: {  	[sflag:s21] =	ssyncset.done $0x0  }
0x45: {  	s30 =	sadd.s32 $0x1300, s28;
	[sflag:s21] =	ssyncadd.s32 $0xFFFFC180  }
0x46: {  	[spmem:s1] =	stream.indirect.scatter.add.f32 [tilespmem:s18], [sflag:$0x4], $0x80, s30, s17, $0xb8;
	[tilespmem:$0x1E800] =	vst v63  }
0x47: {  	_ =	swait.ge [sflag:s15], $0x3E80  }
0x48: {  	[sflag:s15] =	ssyncset.done $0x0  }
0x49: {  	[sflag:s15] =	ssyncadd.s32 $0xFFFFC180  }
0x4a: {  	[tilespmem:s18], [sflag:$0x1] =	stream.indirect.gather [hbm4b:s4+s17], $0x80, s28, s17, $0xb8;
	[tilespmem:$0x1E800] =	vst v63  }
0x4b: {  	_ =	swait.ge [sflag:s22], $0x3E80  }
0x4c: {  	[sflag:s22] =	ssyncset.done $0x0  }
0x4d: {  	s31 =	sadd.s32 $0x1380, s28;
	[sflag:s22] =	ssyncadd.s32 $0xFFFFC180  }
0x4e: {  	[spmem:s1] =	stream.indirect.scatter.add.f32 [tilespmem:s20], [sflag:$0x4], $0x80, s31, s17, $0xb8;
	[tilespmem:$0x1E800] =	vst v63  }
0x4f: {  	_ =	swait.ge [sflag:s15], $0x3E80  }
0x50: {  	[sflag:s15] =	ssyncset.done $0x0  }
0x51: {  	[sflag:s15] =	ssyncadd.s32 $0xFFFFC180  }
0x52: {  	[tilespmem:s20], [sflag:$0x2] =	stream.indirect.gather [hbm4b:s4+s17], $0x80, s23, s17, $0xb8;
	[tilespmem:$0x1E800] =	vst v63  }
0x53: {  	_ =	swait.ge [sflag:s21], $0x3E80  }
0x54: {  	[sflag:s21] =	ssyncset.done $0x0  }
0x55: {  	[sflag:s21] =	ssyncadd.s32 $0xFFFFC180  }
0x56: {  	[spmem:s1] =	stream.indirect.scatter.add.f32 [tilespmem:s18], [sflag:$0x4], $0x80, s24, s17, $0xb8;
	[tilespmem:$0x1E800] =	vst v63  }
0x57: {  	_ =	swait.ge [sflag:s15], $0x3E80  }
0x58: {  	[sflag:s15] =	ssyncset.done $0x0  }
0x59: {  	[sflag:s15] =	ssyncadd.s32 $0xFFFFC180  }
0x5a: {  	_ =	swait.ge [sflag:s22], $0x3E80  }
0x5b: {  	[sflag:s22] =	ssyncset.done $0x0  }
0x5c: {  	[sflag:s22] =	ssyncadd.s32 $0xFFFFC180  }
0x5d: {  	[spmem:s1] =	stream.indirect.scatter.add.f32 [tilespmem:s20], [sflag:$0x4], $0x80, s25, s17, $0xb8;
	[tilespmem:$0x1E800] =	vst v63  }
0x5e: {  	_ =	swait.ge [sflag:s15], $0x3E80  }
0x5f: {  	[sflag:s15] =	ssyncset.done $0x0  }
0x60: {  	[sflag:s15] =	ssyncadd.s32 $0xFFFFC180  }
0x61: {  	[tilespmem:s3], [sflag:$0x4] =	stream.linear.gather [hbm4b:s10+s3], $0x1400, $0x38;
	[tilespmem:$0x1E800] =	vst v63  }
0x62: {  	_ =	swait.ge [sflag:s15], $0x1400  }
0x63: {  	[sflag:s15] =	ssyncset.done $0x0  }
0x64: {  	[sflag:s15] =	ssyncadd.s32 $0xFFFFEC00  }
0x65: {  	[tilespmem:s16], [sflag:$0x4] =	stream.linear.gather [hbm4b:s11+s3], $0x1400, $0x38;
	[tilespmem:$0x1E800] =	vst v63  }
0x66: {  	_ =	swait.ge [sflag:s15], $0x1400  }
0x67: {  	[sflag:s15] =	ssyncset.done $0x0  }
0x68: {  	[sflag:s15] =	ssyncadd.s32 $0xFFFFEC00  }
0x69: {  	[tilespmem:s18], [sflag:$0x1] =	stream.indirect.gather [hbm4b:s4+s17], $0x80, s3, s17, $0xb8;
	[tilespmem:$0x1E800] =	vst v63  }
0x6a: {  	s30 =	simm.s32 $0x80  }
0x6b: {  	[tilespmem:s20], [sflag:$0x2] =	stream.indirect.gather [hbm4b:s4+s17], $0x80, s30, s17, $0xb8;
	[tilespmem:$0x1E800] =	vst v63  }
0x6c: {  	_ =	swait.ge [sflag:s21], $0x3E80  }
0x6d: {  	[sflag:s21] =	ssyncset.done $0x0  }
0x6e: {  	s31 =	simm.s32 $0x1400;
	[sflag:s21] =	ssyncadd.s32 $0xFFFFC180  }
0x6f: {  	[spmem:s1] =	stream.indirect.scatter.add.f32 [tilespmem:s18], [sflag:$0x4], $0x80, s31, s17, $0xb8;
	[tilespmem:$0x1E800] =	vst v63  }
0x70: {  	_ =	swait.ge [sflag:s15], $0x3E80  }
0x71: {  	[sflag:s15] =	ssyncset.done $0x0  }
0x72: {  	s30 =	simm.s32 $0x100;
	[sflag:s15] =	ssyncadd.s32 $0xFFFFC180  }
0x73: {  	[tilespmem:s18], [sflag:$0x1] =	stream.indirect.gather [hbm4b:s4+s17], $0x80, s30, s17, $0xb8;
	[tilespmem:$0x1E800] =	vst v63  }
0x74: {  	_ =	swait.ge [sflag:s22], $0x3E80  }
0x75: {  	[sflag:s22] =	ssyncset.done $0x0  }
0x76: {  	s31 =	simm.s32 $0x1480;
	[sflag:s22] =	ssyncadd.s32 $0xFFFFC180  }
0x77: {  	[spmem:s1] =	stream.indirect.scatter.add.f32 [tilespmem:s20], [sflag:$0x4], $0x80, s31, s17, $0xb8;
	[tilespmem:$0x1E800] =	vst v63  }
0x78: {  	_ =	swait.ge [sflag:s15], $0x3E80  }
0x79: {  	s29 =	simm.s32 $0xC00;
	s28 =	simm.s32 $0x200;
	[sflag:s15] =	ssyncset.done $0x0  }
.LBB2_4:
0x7a: {  	s0 =	sadd.s32 $0xFFFFFF80, s28  }
0x7b: {  	[sflag:s15] =	ssyncadd.s32 $0xFFFFC180;
	s30 =	smov.u32 s29;
	s31 =	sadd.s32 $0x400, s29  }
0x7c: {  	[tilespmem:s20], [sflag:$0x2] =	stream.indirect.gather [hbm4b:s4+s17], $0x80, s0, s17, $0xb8;
	[tilespmem:$0x1E800] =	vst v63  }
0x7d: {  	p0 =	sne.s32 s29, $0x4C00;
	_ =	swait.ge [sflag:s21], $0x3E80  }
0x7e: {  	[sflag:s21] =	ssyncset.done $0x0  }
0x7f: {  	s0 =	sadd.s32 $0x1300, s28;
	[sflag:s21] =	ssyncadd.s32 $0xFFFFC180  }
0x80: {  	[spmem:s1] =	stream.indirect.scatter.add.f32 [tilespmem:s18], [sflag:$0x4], $0x80, s0, s17, $0xb8;
	[tilespmem:$0x1E800] =	vst v63  }
0x81: {  	_ =	swait.ge [sflag:s15], $0x3E80  }
0x82: {  	[sflag:s15] =	ssyncset.done $0x0  }
0x83: {  	[sflag:s15] =	ssyncadd.s32 $0xFFFFC180  }
0x84: {  	[tilespmem:s18], [sflag:$0x1] =	stream.indirect.gather [hbm4b:s4+s17], $0x80, s28, s17, $0xb8;
	[tilespmem:$0x1E800] =	vst v63  }
0x85: {  	_ =	swait.ge [sflag:s22], $0x3E80  }
.Ltmp1:
0x86: {  	[sflag:s22] =	ssyncset.done $0x0;
	(pc) =	sbr.rel @p0 .LBB2_4-.Ltmp1, $4  }
0x87: {  	s0 =	sadd.s32 $0x1380, s28;
	[sflag:s22] =	ssyncadd.s32 $0xFFFFC180  }
0x88: {  	[spmem:s1] =	stream.indirect.scatter.add.f32 [tilespmem:s20], [sflag:$0x4], $0x80, s0, s17, $0xb8;
	[tilespmem:$0x1E800] =	vst v63  }
0x89: {  	_ =	swait.ge [sflag:s15], $0x3E80  }
0x8a: {  	s29 =	smov.u32 s31;
	s28 =	sshra.s32 s30, $0x2;
	[sflag:s15] =	ssyncset.done $0x0  }
0x8b: {  	s0 =	sadd.s32 $0xFFFFFF80, s28;
	[sflag:s15] =	ssyncadd.s32 $0xFFFFC180  }
0x8c: {  	[tilespmem:s20], [sflag:$0x2] =	stream.indirect.gather [hbm4b:s4+s17], $0x80, s0, s17, $0xb8;
	[tilespmem:$0x1E800] =	vst v63  }
0x8d: {  	_ =	swait.ge [sflag:s21], $0x3E80  }
0x8e: {  	[sflag:s21] =	ssyncset.done $0x0  }
0x8f: {  	s29 =	sadd.s32 $0x1300, s28;
	[sflag:s21] =	ssyncadd.s32 $0xFFFFC180  }
0x90: {  	[spmem:s1] =	stream.indirect.scatter.add.f32 [tilespmem:s18], [sflag:$0x4], $0x80, s29, s17, $0xb8;
	[tilespmem:$0x1E800] =	vst v63  }
0x91: {  	_ =	swait.ge [sflag:s15], $0x3E80  }
0x92: {  	[sflag:s15] =	ssyncset.done $0x0  }
0x93: {  	[sflag:s15] =	ssyncadd.s32 $0xFFFFC180  }
0x94: {  	[tilespmem:s18], [sflag:$0x1] =	stream.indirect.gather [hbm4b:s4+s17], $0x80, s28, s17, $0xb8;
	[tilespmem:$0x1E800] =	vst v63  }
0x95: {  	_ =	swait.ge [sflag:s22], $0x3E80  }
0x96: {  	[sflag:s22] =	ssyncset.done $0x0  }
0x97: {  	s30 =	sadd.s32 $0x1380, s28;
	[sflag:s22] =	ssyncadd.s32 $0xFFFFC180  }
0x98: {  	[spmem:s1] =	stream.indirect.scatter.add.f32 [tilespmem:s20], [sflag:$0x4], $0x80, s30, s17, $0xb8;
	[tilespmem:$0x1E800] =	vst v63  }
0x99: {  	_ =	swait.ge [sflag:s15], $0x3E80  }
0x9a: {  	[sflag:s15] =	ssyncset.done $0x0  }
0x9b: {  	[sflag:s15] =	ssyncadd.s32 $0xFFFFC180  }
0x9c: {  	[tilespmem:s20], [sflag:$0x2] =	stream.indirect.gather [hbm4b:s4+s17], $0x80, s23, s17, $0xb8;
	[tilespmem:$0x1E800] =	vst v63  }
0x9d: {  	_ =	swait.ge [sflag:s21], $0x3E80  }
0x9e: {  	[sflag:s21] =	ssyncset.done $0x0  }
0x9f: {  	[sflag:s21] =	ssyncadd.s32 $0xFFFFC180  }
0xa0: {  	[spmem:s1] =	stream.indirect.scatter.add.f32 [tilespmem:s18], [sflag:$0x4], $0x80, s24, s17, $0xb8;
	[tilespmem:$0x1E800] =	vst v63  }
0xa1: {  	_ =	swait.ge [sflag:s15], $0x3E80  }
0xa2: {  	[sflag:s15] =	ssyncset.done $0x0  }
0xa3: {  	[sflag:s15] =	ssyncadd.s32 $0xFFFFC180  }
0xa4: {  	_ =	swait.ge [sflag:s22], $0x3E80  }
0xa5: {  	[sflag:s22] =	ssyncset.done $0x0  }
0xa6: {  	[sflag:s22] =	ssyncadd.s32 $0xFFFFC180  }
0xa7: {  	[spmem:s1] =	stream.indirect.scatter.add.f32 [tilespmem:s20], [sflag:$0x4], $0x80, s25, s17, $0xb8;
	[tilespmem:$0x1E800] =	vst v63  }
0xa8: {  	_ =	swait.ge [sflag:s15], $0x3E80  }
0xa9: {  	s26 =	sadd.s32 $0x1, s26;
	[sflag:s15] =	ssyncset.done $0x0  }
0xaa: {  	p0 =	sne.s32 s26, s13;
	[sflag:s15] =	ssyncadd.s32 $0xFFFFC180  }
.Ltmp2:
0xab: {  	s31 =	sor.u32 $0x1C04, s6;
	[bflag:$0x0] =	sbarrier.arrive $0xFFFF;
	(pc) =	sbr.rel @p0 .LBB2_1-.Ltmp2, $4  }
0xac: {  	[hbm:s12], [sflag:s31] =	dma.local [spmem:s14], $0x2800  }
0xad: {  	_ =	swait.ge [sflag:s15], $0x2800  }
0xae: {  	[sflag:s15] =	ssyncset.done $0x0  }
0xaf: {  	[sflag:s15] =	ssyncadd.s32 $0xFFFFD800  }
0xb0: {  	_ =	sfence.sel $0x180000  }
0xb1: {  	[bflag:$0x0] =	sbarrier.arrive $0xFFFF  }
0xb2: {  	_ =	strace $0x9000004D  }
0xb3: {  	[bflag:$0x2] =	sbarrier.arrive $0xFFFF  }
0xb4: {  	p0 =	sne.s32 s2, $0x0;
	s0 =	rddreg [dreg:$0x3]  }
0xb5: {  	s0 =	sadd.s32 @!p0 $0x100000, s0  }
0xb6: {  	[sflag:s0] =	ssyncadd.tile.s32 @!p0 $0x1;
	_ =	shalt  }
.Lfunc_end2:
_tile_overlayer_lowered:
.L_overlay_start_2:
0xb7: {  	(tag) =	ssettag $0x2  }
0xb8: {  	s0 =	rddreg [dreg:$0x0];
	s2 =	stileid.u32  }
0xb9: {  	s1 =	rddreg [dreg:$0x1];
	p0 =	sne.s32 s2, $0x0  }
0xba: {  	s3 =	rddreg [dreg:$0x2];
	[bflag:$0x3] =	sbarrier.arrive $0xFFFF;
	s2 =	simm.s32 @!p0 $0x1C04  }
0xbb: {  	[timem:s3], [sflag:s2] =	dma.local @!p0 [hbm:s0], s1  }
0xbc: {  	s0 =	simm.s32 @!p0 $0x4  }
0xbd: {  	_ =	swait.ge @!p0 [sflag:s0], s1  }
0xbe: {  	s1 =	ssub.s32 @!p0 $0x0, s1;
	[sflag:s0] =	ssyncset.done @!p0 $0x0  }
0xbf: {  	[sflag:s0] =	ssyncadd.s32 @!p0 s1  }
0xc0: {  	[bflag:$0x3] =	sbarrier.arrive $0xFFFF  }
0xc1: {  	_ =	shalt  }

// kernel: kernel.8.cloned.1.call-start
scs
__scs_entry_jumppad:
0x0: {  	(pc) =	sbr.rel $0x88, $3  }
0x1: {  	(tag) =	ssettag $0x0;
	lr =	simm.s32 $0x1  }
0x2: {  	[smem:$0x3F99] =	sst lr;
	_ =	strace $0xD0000000  }
0x3: {  	_ = 	snop  }
0x4: {  	_ = 	snop  }
0x5: {  	_ = 	snop  }
0x6: {  	_ = 	snop  }
0x7: {  	_ = 	snop  }
__scs_overlays_trampoline_lowered:
0x8: {  	[smem:$0x3FA8] =	sst s0  }
0x9: {  	[smem:$0x3FA9] =	sst s1  }
0xa: {  	[smem:$0x3FAA] =	sst s2  }
0xb: {  	[smem:$0x3FAB] =	sst s3  }
0xc: {  	[smem:$0x3FAC] =	sst s4  }
0xd: {  	[smem:$0x3FAD] =	sst s5  }
0xe: {  	[smem:$0x3FAE] =	sst s6  }
0xf: {  	[smem:$0x3FAF] =	sst s7  }
0x10: {  	[smem:$0x3FB0] =	sst s8  }
0x11: {  	[smem:$0x3FB1] =	sst s9;
	s0 =	simm.s32 @!p0 $0x0  }
0x12: {  	s1 =	sld [smem:$0x3F97];
	s0 =	simm.s32 @p0 $0x1  }
0x13: {  	[smem:$0x3FB2] =	sst s0;
	s0 =	simm.s32 @!p1 $0x0  }
0x14: {  	s2 =	sld [smem:$0x3F96];
	s0 =	simm.s32 @p1 $0x1  }
0x15: {  	[smem:$0x3FB3] =	sst s0;
	s0 =	simm.s32 @!p2 $0x0  }
0x16: {  	s3 =	sld [smem:$0x3FDB];
	s0 =	simm.s32 @p2 $0x1  }
0x17: {  	s4 =	simm.s32 $0x1BF5;
	[smem:$0x3FB5] =	sst s0  }
0x18: {  	s0 =	sld [smem:$0x3F98];
	_ =	swait.ge [sflag:s4], $0x0  }
0x19: {  	s7 =	sld [smem:$0x3F99]  }
0x1a: {  	s8 =	sadd.s32 $0xFFFFE003, lr  }
0x1b: {  	s9 =	sadd.s32 $0xFFFFFEF7, lr;
	s5 =	simm.s32 $0xFFFFFFFF;
	p2 =	slt.u32 s8, $0xFFFFF086  }
0x1c: {  	p1 =	slt.u32 s9, $0xF7A;
	s5 =	simm.s32 @!p2 $0x0  }
0x1d: {  	s5 =	simm.s32 @p1 $0x1;
	p0 =	seq.s32 s7, s2  }
0x1e: {  	s7 =	smul.u32 @!p0 $0xF7A, s2;
	p2 =	seq.s32 @!p0 s5, $0x0  }
0x1f: {  	s9 =	smul.u32 $0xF7A, s1;
	s8 =	simm.s32 @!p0 $0x1BF5;
	p2 =	por !p2, p0  }
0x20: {  	[sflag:s8] =	ssyncset.s32 @!p0 $0xFFFFF086;
	s6 =	sadd.s32 @!p0 s3, s7;
	s7 =	simm.s32 @!p0 $0x108  }
0x21: {  	s3 =	sadd.s32 s3, s9;
	s6 =	sadd.s32 @!p0 $0x88, s6;
	s7 =	simm.s32 @p2 $0x1082  }
0x22: {  	[simem:s7], [sflag:s8] =	dma.local @!p0 [hbm:s6], $0xF7A  }
0x23: {  	s9 =	sor.u32 $0xD0000000, s2;
	s6 =	simm.s32 $0x108;
	_ =	swait.ge @!p0 [sflag:s8], $0x0  }
0x24: {  	s3 =	sadd.s32 $0x88, s3;
	s6 =	simm.s32 @!p1 $0x1082;
	[sflag:s4] =	ssyncset.s32 $0xFFFFF086  }
0x25: {  	[simem:s6], [sflag:s4] =	dma.local [hbm:s3], $0xF7A  }
0x26: {  	[smem:$0x3F99] =	sst s1;
	(tag) =	ssettag s2;
	_ =	strace s9  }
0x27: {  	s1 =	sld [smem:$0x3FA9]  }
0x28: {  	s2 =	sld [smem:$0x3FAA]  }
0x29: {  	s4 =	sld [smem:$0x3FAC]  }
0x2a: {  	p0 =	seq.s32 s5, $0x0;
	s5 =	sld [smem:$0x3FAD]  }
0x2b: {  	s6 =	sld [smem:$0x3FAE]  }
0x2c: {  	s7 =	sld [smem:$0x3FAF]  }
0x2d: {  	s3 =	simm.s32 $0x108;
	s8 =	sld [smem:$0x3FB0]  }
0x2e: {  	s3 =	simm.s32 @!p0 $0x1082;
	s9 =	sld [smem:$0x3FB1]  }
0x2f: {  	lr =	sadd.s32 s0, s3;
	s0 =	sld [smem:$0x3FA8]  }
0x30: {  	s3 =	sld [smem:$0x3FAB]  }
0x31: {  	[smem:$0x3FB4] =	sst s10  }
0x32: {  	s10 =	sld [smem:$0x3FB2];
	_ =	sdelay $0x3  }
0x33: {  	p0 =	seq.s32 s10, $0x1;
	s10 =	sld [smem:$0x3FB4];
	_ =	sdelay $0x3  }
0x34: {  	[smem:$0x3FB4] =	sst s10  }
0x35: {  	s10 =	sld [smem:$0x3FB3];
	_ =	sdelay $0x3  }
0x36: {  	p1 =	seq.s32 s10, $0x1;
	s10 =	sld [smem:$0x3FB4];
	_ =	sdelay $0x3  }
0x37: {  	[smem:$0x3FB4] =	sst s10  }
0x38: {  	s10 =	sld [smem:$0x3FB5]  }
0x39: {  	_ = 	snop;
	(pc) =	sbr.ind lr, $3  }
0x3a: {  	_ = 	snop  }
0x3b: {  	_ = 	snop  }
0x3c: {  	p2 =	seq.s32 s10, $0x1;
	s10 =	sld [smem:$0x3FB4]  }
0x3d: {  	_ =	shalt  }
0x3e: {  	_ =	shalt  }
0x3f: {  	_ =	shalt  }
0x40: {  	_ =	shalt  }
0x41: {  	_ =	shalt  }
0x42: {  	_ =	shalt  }
0x43: {  	_ =	shalt  }
0x44: {  	_ =	shalt  }
0x45: {  	_ =	shalt  }
0x46: {  	_ =	shalt  }
0x47: {  	_ =	shalt  }
0x48: {  	_ =	shalt  }
0x49: {  	_ =	shalt  }
0x4a: {  	_ =	shalt  }
0x4b: {  	_ =	shalt  }
0x4c: {  	_ =	shalt  }
0x4d: {  	_ =	shalt  }
0x4e: {  	_ =	shalt  }
0x4f: {  	_ =	shalt  }
0x50: {  	_ =	shalt  }
0x51: {  	_ =	shalt  }
0x52: {  	_ =	shalt  }
0x53: {  	_ =	shalt  }
0x54: {  	_ =	shalt  }
0x55: {  	_ =	shalt  }
0x56: {  	_ =	shalt  }
0x57: {  	_ =	shalt  }
0x58: {  	_ =	shalt  }
0x59: {  	_ =	shalt  }
0x5a: {  	_ =	shalt  }
0x5b: {  	_ =	shalt  }
0x5c: {  	_ =	shalt  }
0x5d: {  	_ =	shalt  }
0x5e: {  	_ =	shalt  }
0x5f: {  	_ =	shalt  }
0x60: {  	_ =	shalt  }
0x61: {  	_ =	shalt  }
0x62: {  	_ =	shalt  }
0x63: {  	_ =	shalt  }
0x64: {  	_ =	shalt  }
0x65: {  	_ =	shalt  }
0x66: {  	_ =	shalt  }
0x67: {  	_ =	shalt  }
0x68: {  	_ =	shalt  }
0x69: {  	_ =	shalt  }
0x6a: {  	_ =	shalt  }
0x6b: {  	_ =	shalt  }
0x6c: {  	_ =	shalt  }
0x6d: {  	_ =	shalt  }
0x6e: {  	_ =	shalt  }
0x6f: {  	_ =	shalt  }
0x70: {  	_ =	shalt  }
0x71: {  	_ =	shalt  }
0x72: {  	_ =	shalt  }
0x73: {  	_ =	shalt  }
0x74: {  	_ =	shalt  }
0x75: {  	_ =	shalt  }
0x76: {  	_ =	shalt  }
0x77: {  	_ =	shalt  }
0x78: {  	_ =	shalt  }
0x79: {  	_ =	shalt  }
0x7a: {  	_ =	shalt  }
0x7b: {  	_ =	shalt  }
0x7c: {  	_ =	shalt  }
0x7d: {  	_ =	shalt  }
0x7e: {  	_ =	shalt  }
0x7f: {  	_ =	shalt  }
0x80: {  	_ =	shalt  }
0x81: {  	_ =	shalt  }
0x82: {  	_ =	shalt  }
0x83: {  	_ =	shalt  }
0x84: {  	_ =	shalt  }
0x85: {  	_ =	shalt  }
0x86: {  	_ =	shalt  }
0x87: {  	_ =	shalt  }
.Lfunc_end0:
.L_simem_size_0:
called_computation_lowered:
.L_overlay_start_0:
0x88: {  	s2 =	sld [smem:$0x3FD9]  }
0x89: {  	s3 =	sld [smem:$0x3FFE];
	_ =	sdelay $0x1  }
0x8a: {  	s1 =	srdreg.scid  }
0x8b: {  	s0 =	sand.u32 $0x1, s1  }
0x8c: {  	s17 =	sshll.u32 s0, $0xA;
	s2 =	sadd.s32 s3, s2  }
0x8d: {  	s2 =	sadd.s32 s2, s17  }
0x8e: {  	[smem:$0x3FC0] =	sst s2  }
0x8f: {  	_ = 	snop  }
0x90: {  	s2 =	sld [smem:$0x3FD0];
	(tm) =	ssettm $0x1  }
0x91: {  	s18 =	sld [smem:$0x3FFB];
	_ =	sdelay $0x3  }
0x92: {  	_ =	strace s18  }
0x93: {  	s3 =	sld [smem:$0x3FFC];
	_ =	sdelay $0x3  }
0x94: {  	_ =	strace s3  }
0x95: {  	s3 =	sld [smem:$0x3FFD];
	_ =	sdelay $0x3  }
0x96: {  	_ =	strace s3  }
0x97: {  	_ =	strace $0x8FFFFFFF  }
0x98: {  	s19 =	sld [smem:$0x3FDB];
	_ =	sdelay $0x1  }
0x99: {  	s4 =	simm.s32 $_scs_section_size  }
0x9a: {  	s5 =	simm.s32 $_size__tile_overlayer_lowered;
	s6 =	simm.s32 $_tile_overlayer_lowered  }
0x9b: {  	s22 =	simm.s32 $0x1BFF;
	s21 =	sshll.u32 s6, $0x1;
	s3 =	sadd.s32 s4, s19  }
0x9c: {  	s7 =	simm.s32 $0x0;
	s20 =	sshll.u32 s5, $0x1;
	s5 =	sadd.s32 s21, s3  }
0x9d: {  	[timem:s7], [sflag:s22] =	dma.local [hbm:s5], s20  }
0x9e: {  	_ =	swait.ge [sflag:s22], s20  }
0x9f: {  	s4 =	ssub.s32 $0x0, s20;
	[sflag:s22] =	ssyncset.done $0x0  }
0xa0: {  	[sflag:s22] =	ssyncadd.s32 s4;
	_ =	sdelay $0x1  }
0xa1: {  	s23 =	simm.s32 $0x1B8B  }
0xa2: {  	_ =	swait.ge [sflag:s23], $0x1  }
0xa3: {  	[sflag:s23] =	ssyncset.done $0x0  }
0xa4: {  	s25 =	simm.s32 $0x1B8E;
	s24 =	sld [smem:$0x3FFE];
	[sflag:s23] =	ssyncadd.s32 $0xFFFFFFFF  }
0xa5: {  	s26 =	simm.s32 $execute0_lowered;
	[smem:$0x3FD2] =	sst s25  }
0xa6: {  	s5 =	sshll.u32 s26, $0x1;
	_ =	strace $0x80000046;
	[dreg:$0x1] =	wrdreg $0xFFFFFFFF  }
0xa7: {  	s28 =	simm.s32 $_size_execute0_lowered;
	s3 =	sadd.s32 s3, s5;
	[dreg:$0x0] =	wrdreg $0x0  }
0xa8: {  	s5 =	sshll.u32 s28, $0x1;
	[dreg:$0x2] =	wrdreg s3  }
0xa9: {  	[dreg:$0x3] =	wrdreg s5  }
0xaa: {  	[dreg:$0x4] =	wrdreg $0xC0  }
0xab: {  	_ =	task [dreg:s7], $0x5FFFF  }
0xac: {  	[dreg:$0x1] =	wrdreg $0xFFFFFFFF  }
0xad: {  	[dreg:$0x0] =	wrdreg $0x60  }
0xae: {  	[dreg:$0x2] =	wrdreg s2  }
0xaf: {  	[dreg:$0x3] =	wrdreg s24  }
0xb0: {  	[dreg:$0x4] =	wrdreg $0x68000  }
0xb1: {  	[dreg:$0x5] =	wrdreg $0x9  }
0xb2: {  	_ =	task.clear_ibuf [dreg:s7], $0x6FFFF;
	_ =	strace $0x90000046  }
0xb3: {  	s29 =	simm.s32 $0x9;
	_ =	strace $0x80000048  }
0xb4: {  	_ =	swait.ge [sflag:s29], $0x1  }
0xb5: {  	[sflag:s29] =	ssyncadd.s32 $0xFFFFFFFF  }
0xb6: {  	_ =	strace $0x90000048  }
0xb7: {  	_ =	sfence  }
0xb8: {  	s30 =	sld [smem:$0x0];
	_ =	sdelay $0x2  }
0xb9: {  	s31 =	sshll.u32 s1, $0xD;
	s1 =	sshrl.u32 s1, $0x2  }
0xba: {  	s3 =	sand.u32 $0x4000, s31;
	s1 =	sadd.s32 s1, s30  }
0xbb: {  	s0 =	sor.u32 s3, s0;
	s1 =	sshll.u32 s1, $0x11  }
0xbc: {  	s0 =	sor.u32 s1, s0  }
0xbd: {  	s0 =	sadd.s32 $0x8F2B, s0  }
0xbe: {  	[sflag:s0] =	ssyncadd.remote.s32 $0x1  }
0xbf: {  	_ =	sfence.sel $0xFFFF  }
0xc0: {  	[dreg:$0x0] =	wrdreg $0xFFFFFFFF;
	(pc) =	sbr.abs _section_cstart, $3  }
0xc1: {  	[dreg:$0x1] =	wrdreg $0xFFFFFFFF  }
0xc2: {  	_ =	task.clear_ibuf [dreg:s7], $0x2FFFF;
	_ =	strace $0x9FFFFFFF  }
0xc3: {  	(tm) =	ssettm $0x7FFFFFFF  }
tec
execute0_lowered:
.L_overlay_start_1:
0x0: {  	(tag) =	ssettag $0x1  }
0x1: {  	s7 =	rddreg [dreg:$0x0]  }
0x2: {  	s6 =	rddreg [dreg:$0x1]  }
0x3: {  	s0 =	srdreg.scid;
	s2 =	rddreg [dreg:$0x2]  }
0x4: {  	s1 =	stileid.u32;
	s3 =	simm.s32 $0x0;
	s12 =	simm.s32 $0x2800  }
0x5: {  	s13 =	simm.s32 $0x2;
	s14 =	simm.s32 $0x7D;
	s15 =	simm.s32 $0x80  }
0x6: {  	s16 =	simm.s32 $0x1;
	s18 =	simm.s32 $0x0;
	s5 =	smul.u32 $0x14000, s1  }
0x7: {  	s8 =	sand.u32 $0x1, s0;
	s0 =	rddreg [dreg:$0x3];
	s11 =	smul.u32 $0x50000, s1  }
0x8: {  	[smem:$0x7FF] =	sst s3;
	s17 =	sshll.u32 s1, $0x6;
	s4 =	smul.u32 $0x140000, s8  }
0x9: {  	_ =	strace $0x80000047;
	s10 =	ssub.s32 $0x2, s8;
	s8 =	sshll.u32 s8, $0x4  }
0xa: {  	s31 =	sshrl.u32 s10, $0x1;
	s8 =	sor.u32 s1, s8;
	s11 =	sshrl.u32 s11, $0x2  }
0xb: {  	s9 =	sadd.s32 s5, s4;
	s4 =	sadd.s32 $0x4A00, s6;
	s5 =	sadd.s32 $0x2200, s6  }
0xc: {  	s8 =	smul.u32 $0x500, s8;
	s10 =	ssub.s32 s10, s31;
	s9 =	sshrl.u32 s9, $0x3  }
0xd: {  	s11 =	sadd.s32 s11, s2;
	s9 =	sadd.s32 s9, s6;
	s6 =	sor.u32 $0x1C02, s17  }
0xe: {  	s7 =	sadd.s32 s7, s8;
	s17 =	sor.u32 $0x1C03, s17;
	s8 =	sadd.s32 $0x5200, s9  }
0xf: {  	s9 =	smax.u32 s10, $0x1;
	s10 =	sshrl.u32 s11, $0x3;
	s11 =	simm.s32 $0x3  }
.LBB2_1:
0x10: {  	[spmem:s10], [sflag:s6] =	dma.local [hbm:s5], $0x2800  }
0x11: {  	[tilespmem:s3], [sflag:$0x3] =	stream.linear.gather [hbm4b:s7+s3], $0x2800, $0x38;
	[tilespmem:$0x1A800] =	vst v63  }
0x12: {  	_ =	swait.ge [sflag:s11], $0x2800  }
0x13: {  	[sflag:s11] =	ssyncset.done $0x0  }
0x14: {  	[sflag:s11] =	ssyncadd.s32 $0xFFFFD800  }
0x15: {  	[tilespmem:s12], [sflag:$0x3] =	stream.linear.gather [hbm4b:s4+s3], $0x3E80, $0x38;
	[tilespmem:$0x1A800] =	vst v63  }
0x16: {  	_ =	swait.ge [sflag:s11], $0x3E80  }
0x17: {  	[sflag:s11] =	ssyncset.done $0x0  }
0x18: {  	[sflag:s11] =	ssyncadd.s32 $0xFFFFC180  }
0x19: {  	_ =	swait.ge [sflag:s13], $0x2800  }
0x1a: {  	[sflag:s13] =	ssyncset.done $0x0  }
0x1b: {  	[sflag:s13] =	ssyncadd.s32 $0xFFFFD800  }
0x1c: {  	[bflag:$0x0] =	sbarrier.arrive $0xFFFF  }
0x1d: {  	[spmem:s2] =	stream.indirect.scatter.add.f32 [tilespmem:s12], [sflag:$0x1], $0x80, s3, s14, $0xb8;
	[tilespmem:$0x1A800] =	vst v63  }
0x1e: {  	_ = 	snop  }
0x1f: {  	[spmem:s2] =	stream.indirect.scatter.add.f32 [tilespmem:s12], [sflag:$0x1], $0x80, s15, s14, $0xb8;
	[tilespmem:$0x1A800] =	vst v63  }
0x20: {  	s19 =	simm.s32 $0x100  }
0x21: {  	[spmem:s2] =	stream.indirect.scatter.add.f32 [tilespmem:s12], [sflag:$0x1], $0x80, s19, s14, $0xb8;
	[tilespmem:$0x1A800] =	vst v63  }
0x22: {  	_ =	swait.ge [sflag:s16], $0x3E80  }
0x23: {  	s19 =	simm.s32 $0x600;
	[sflag:s16] =	ssyncset.done $0x0  }
.LBB2_2:
0x24: {  	s20 =	sshra.s32 s19, $0x2;
	[sflag:s16] =	ssyncadd.s32 $0xFFFFC180;
	p0 =	sne.s32 s19, $0x9E00  }
0x25: {  	[spmem:s2] =	stream.indirect.scatter.add.f32 [tilespmem:s12], [sflag:$0x1], $0x80, s20, s14, $0xb8;
	[tilespmem:$0x1A800] =	vst v63  }
.Ltmp0:
0x26: {  	_ = 	snop;
	(pc) =	sbr.rel @p0 .LBB2_2-.Ltmp0, $4  }
0x27: {  	_ = 	snop  }
0x28: {  	s19 =	sadd.s32 $0x200, s19  }
0x29: {  	_ =	swait.ge [sflag:s16], $0x3E80  }
0x2a: {  	[sflag:s16] =	ssyncset.done $0x0  }
0x2b: {  	[sflag:s16] =	ssyncadd.s32 $0xFFFFC180  }
0x2c: {  	_ =	swait.ge [sflag:s16], $0x3E80  }
0x2d: {  	[sflag:s16] =	ssyncset.done $0x0  }
0x2e: {  	[sflag:s16] =	ssyncadd.s32 $0xFFFFC180  }
0x2f: {  	_ =	swait.ge [sflag:s16], $0x3E80  }
0x30: {  	s18 =	sadd.s32 $0x1, s18;
	[sflag:s16] =	ssyncset.done $0x0  }
0x31: {  	p0 =	sne.s32 s18, s9;
	[sflag:s16] =	ssyncadd.s32 $0xFFFFC180  }
.Ltmp1:
0x32: {  	[bflag:$0x0] =	sbarrier.arrive $0xFFFF;
	(pc) =	sbr.rel @p0 .LBB2_1-.Ltmp1, $4  }
0x33: {  	[hbm:s8], [sflag:s17] =	dma.local [spmem:s10], $0x2800  }
0x34: {  	_ =	swait.ge [sflag:s11], $0x2800  }
0x35: {  	[sflag:s11] =	ssyncset.done $0x0  }
0x36: {  	[sflag:s11] =	ssyncadd.s32 $0xFFFFD800  }
0x37: {  	_ =	sfence.sel $0x180000  }
0x38: {  	[bflag:$0x0] =	sbarrier.arrive $0xFFFF  }
0x39: {  	p0 =	sne.s32 s1, $0x0;
	_ =	strace $0x90000047  }
0x3a: {  	s0 =	sadd.s32 @!p0 $0x100000, s0;
	[bflag:$0x2] =	sbarrier.arrive $0xFFFF  }
0x3b: {  	[sflag:s0] =	ssyncadd.tile.s32 @!p0 $0x1;
	_ =	shalt  }
.Lfunc_end2:
_tile_overlayer_lowered:
.L_overlay_start_2:
0x3c: {  	(tag) =	ssettag $0x2  }
0x3d: {  	s0 =	rddreg [dreg:$0x0];
	s2 =	stileid.u32  }
0x3e: {  	s1 =	rddreg [dreg:$0x1];
	p0 =	sne.s32 s2, $0x0  }
0x3f: {  	s3 =	rddreg [dreg:$0x2];
	[bflag:$0x3] =	sbarrier.arrive $0xFFFF;
	s2 =	simm.s32 @!p0 $0x1C03  }
0x40: {  	[timem:s3], [sflag:s2] =	dma.local @!p0 [hbm:s0], s1  }
0x41: {  	s0 =	simm.s32 @!p0 $0x3  }
0x42: {  	_ =	swait.ge @!p0 [sflag:s0], s1  }
0x43: {  	s1 =	ssub.s32 @!p0 $0x0, s1;
	[sflag:s0] =	ssyncset.done @!p0 $0x0  }
0x44: {  	[sflag:s0] =	ssyncadd.s32 @!p0 s1  }
0x45: {  	[bflag:$0x3] =	sbarrier.arrive $0xFFFF  }
0x46: {  	_ =	shalt  }

</sc_bundles>
